<compile_context>
chip_gen: v7x
topology: tpu7x:2x2x1
jax: 0.10.2.dev20260603
libtpu: 0.0.44.dev20260713+nightly
codegen_flags: <defaults>
</compile_context>

<pallas_src>
import functools

import jax
import jax.numpy as jnp
import numpy as np
from jax import lax
from jax.experimental import pallas as pl
from jax.experimental.pallas import tpu as pltpu
from jax.experimental.pallas import tpu_sc as plsc

_B = 16384
_D = 128
_T = 64
_K = 4
_SPREAD = 1.5
_BLK = 4096
_NEG = -1e30

_NC = 2
_NS = 16
_NW = _NC * _NS
_RPW = _B // _NW
_NG = _RPW // 16


def _enc_body(op_ref, a_ref, b_ref, c_ref, emb_ref, win_ref, bin_ref, tk_ref,
              tp_ref, gp_ref, vf_ref,
              x_ref, st_ref, imp_ref, cosph_ref, ctab_ref, stab_ref):
    i = pl.program_id(0)
    f32 = jnp.float32

    @pl.when(i == 0)
    def _init():
        imp_ref[...] = jnp.zeros_like(imp_ref)
        p8 = lax.broadcasted_iota(jnp.int32, (8, _T), 0).astype(f32)
        ctab_ref[...] = jnp.cos(vf_ref[...] * p8)
        stab_ref[...] = jnp.sin(vf_ref[...] * p8)
        cosph_ref[...] = jnp.cos(gp_ref[...])

    opi = op_ref[...]
    i8 = lax.broadcasted_iota(jnp.int32, (1, 8), 1)
    oh8 = (opi == i8).astype(f32)
    abits = ((a_ref[...] >> i8) & 1).astype(f32)
    bbits = ((b_ref[...] >> i8) & 1).astype(f32)
    cf = c_ref[...].astype(f32)

    W = win_ref[...]
    M8 = jnp.dot(emb_ref[...], W[0:32, :], preferred_element_type=f32)
    xT = (lax.dot_general(M8, oh8, (((0,), (1,)), ((), ())),
                          preferred_element_type=f32)
          + lax.dot_general(W[32:40, :], abits, (((0,), (1,)), ((), ())),
                            preferred_element_type=f32)
          + lax.dot_general(W[40:48, :], bbits, (((0,), (1,)), ((), ())),
                            preferred_element_type=f32)
          + lax.dot_general(W[48:49, :], cf, (((0,), (1,)), ((), ())),
                            preferred_element_type=f32)
          + bin_ref[...])
    x_ref[...] = xT

    p8 = lax.broadcasted_iota(jnp.int32, (8, _T), 0).astype(f32)
    geo_tab = -((p8 - tp_ref[...]) ** 2) * (1.0 / (2.0 * _SPREAD * _SPREAD))
    st = (lax.dot_general(tk_ref[...], xT, (((1,), (0,)), ((), ())),
                          preferred_element_type=f32) * (1.0 / np.sqrt(_D))
          + lax.dot_general(geo_tab, oh8, (((0,), (1,)), ((), ())),
                            preferred_element_type=f32))
    st_ref[...] = st

    e = jnp.exp(st - jnp.max(st, axis=0, keepdims=True))
    probs = e / jnp.sum(e, axis=0, keepdims=True)
    imp_ref[...] += jnp.sum(probs, axis=1, keepdims=True)


_CH = 128
_NCH = _RPW // _CH


def _route_body(st_hbm, opi_hbm, tv_hbm, cosph_hbm, ctab_hbm, stab_hbm,
                outn_hbm, gates_hbm, loadp_hbm,
                sc_s, tvv, ctv, stv, cpv, opiv, outv, gatesv, loadv):
    f32 = jnp.float32
    i32 = jnp.int32
    cid = lax.axis_index("c")
    sid = lax.axis_index("s")
    wid = sid * _NC + cid
    base = pl.multiple_of(wid * _RPW, 128)

    pltpu.sync_copy(opi_hbm.at[pl.ds(base, _RPW)], opiv)
    pltpu.sync_copy(tv_hbm, tvv)
    pltpu.sync_copy(ctab_hbm, ctv)
    pltpu.sync_copy(stab_hbm, stv)
    pltpu.sync_copy(cosph_hbm, cpv)

    lane = lax.iota(i32, 16)
    zero16 = jnp.zeros((16,), f32)
    for q in range(128 // 16):
        loadv[pl.ds(q * 16, 16)] = zero16

    def chunk(ch, _c):
        cbase = pl.multiple_of(base + ch * _CH, 128)
        pltpu.sync_copy(st_hbm.at[:, pl.ds(cbase, _CH)], sc_s)

        def group(g, _):
            goff = g * 16
            opi = opiv[pl.ds(ch * _CH + goff, 16)]
            row = goff + lane

            def tstep(t, carry):
                vs = list(carry[:_K])
                ids = list(carry[_K:])
                sv = sc_s[t, pl.ds(goff, 16)]
                ti = jnp.broadcast_to(t, (16,)).astype(i32)
                for l in range(_K):
                    gt = sv > vs[l]
                    nv = jnp.where(gt, sv, vs[l])
                    ni = jnp.where(gt, ti, ids[l])
                    sv = jnp.where(gt, vs[l], sv)
                    ti = jnp.where(gt, ids[l], ti)
                    vs[l] = nv
                    ids[l] = ni
                return tuple(vs) + tuple(ids)

            init = tuple(jnp.full((16,), _NEG, f32) for _ in range(_K)) + \
                   tuple(jnp.zeros((16,), i32) for _ in range(_K))
            carry = lax.fori_loop(0, _T, tstep, init, unroll=8)
            vs = carry[:_K]
            ids = carry[_K:]

            es = [jnp.exp(v - vs[0]) for v in vs]
            den = es[0] + es[1] + es[2] + es[3]
            gs = [e / den for e in es]

            wcs, wss = [], []
            row4 = row * _K
            for j in range(_K):
                gm = plsc.load_gather(cpv, [ids[j]])
                ct = plsc.load_gather(ctv, [opi, ids[j]])
                stj = plsc.load_gather(stv, [opi, ids[j]])
                w = gs[j] * gm
                wcs.append(w * ct)
                wss.append(w * stj)
                plsc.addupdate_scatter(loadv, [ids[j]], gs[j])
                plsc.store_scatter(gatesv, [row4 + j], gs[j])

            @plsc.parallel_loop(0, _D // 2, unroll=8)
            def dstep(d):
                d2 = 2 * d
                acc1 = zero16
                acc2 = zero16
                for j in range(_K):
                    va = plsc.load_gather(tvv, [ids[j] + d2 * _T])
                    vb = plsc.load_gather(tvv, [ids[j] + (d2 + 1) * _T])
                    acc1 = acc1 + (va * wcs[j] - vb * wss[j])
                    acc2 = acc2 + (va * wss[j] + vb * wcs[j])
                plsc.store_scatter(outv, [jnp.broadcast_to(d2, (16,)).astype(i32), row], acc1)
                plsc.store_scatter(outv, [jnp.broadcast_to(d2 + 1, (16,)).astype(i32), row], acc2)

            return 0

        lax.fori_loop(0, _CH // 16, group, 0)

        pltpu.sync_copy(outv, outn_hbm.at[:, pl.ds(cbase, _CH)])
        pltpu.sync_copy(gatesv, gates_hbm.at[pl.ds(pl.multiple_of(cbase * _K, 128), _CH * _K)])
        return 0

    lax.fori_loop(0, _NCH, chunk, 0)
    pltpu.sync_copy(loadv, loadp_hbm.at[pl.ds(pl.multiple_of(wid * 128, 128), 128)])


def _head_body(x_ref, outn_ref, wh1_ref, bh1_ref, wh2_ref, bh2_ref,
               imp_ref, loadp_ref, res_ref, aux_ref):
    i = pl.program_id(0)
    f32 = jnp.float32

    outT = outn_ref[...] + x_ref[...]
    hT = jnp.maximum(
        lax.dot_general(wh1_ref[...], outT, (((0,), (0,)), ((), ())),
                        preferred_element_type=f32) + bh1_ref[...], 0.0)
    zT = lax.dot_general(wh2_ref[...], hT, (((0,), (0,)), ((), ())),
                         preferred_element_type=f32) + bh2_ref[...]
    res_ref[...] = jnp.transpose(1.0 / (1.0 + jnp.exp(-zT)), (1, 0))

    @pl.when(i == 0)
    def _aux():
        load_sum = jnp.sum(loadp_ref[...][:, 0:_T], axis=0, keepdims=True)
        aux_ref[...] = (_T / (float(_B) * float(_B) * _K)) * lax.dot_general(
            load_sum, imp_ref[...], (((1,), (0,)), ((), ())),
            preferred_element_type=f32)


@jax.jit
def _run(op_idx, a, b, c, op_embed, W_in, b_in, tile_keys, tile_values,
         tile_pos, gauge_phase, vortex_freq, W_h1, b_h1, W_h2, b_h2):
    B = op_idx.shape[0]
    nb = B // _BLK
    i32 = jnp.int32
    f32 = jnp.float32
    op2 = op_idx.astype(i32).reshape(B, 1)
    a2 = a.astype(i32).reshape(B, 1)
    b2 = b.astype(i32).reshape(B, 1)
    c2 = c.astype(i32).reshape(B, 1)

    row = pl.BlockSpec((_BLK, 1), lambda i: (i, 0))
    full = lambda r, co: pl.BlockSpec((r, co), lambda i: (0, 0))

    x, scoresT, imp, cosph, ctab, stab = pl.pallas_call(
        _enc_body,
        grid=(nb,),
        in_specs=[
            row, row, row, row,
            full(8, 32), full(49, _D), full(_D, 1), full(_T, _D),
            full(1, _T), full(1, _T), full(1, _T),
        ],
        out_specs=(
            pl.BlockSpec((_D, _BLK), lambda i: (0, i)),
            pl.BlockSpec((_T, _BLK), lambda i: (0, i)),
            full(_T, 1), full(1, _T), full(8, _T), full(8, _T),
        ),
        out_shape=(
            jax.ShapeDtypeStruct((_D, B), f32),
            jax.ShapeDtypeStruct((_T, B), f32),
            jax.ShapeDtypeStruct((_T, 1), f32),
            jax.ShapeDtypeStruct((1, _T), f32),
            jax.ShapeDtypeStruct((8, _T), f32),
            jax.ShapeDtypeStruct((8, _T), f32),
        ),
    )(op2, a2, b2, c2, op_embed, W_in, b_in.reshape(_D, 1), tile_keys,
      tile_pos.reshape(1, _T), gauge_phase.reshape(1, _T),
      vortex_freq.reshape(1, _T))

    mesh = plsc.VectorSubcoreMesh(core_axis_name="c", subcore_axis_name="s")
    outn, gates, loadp = pl.kernel(
        _route_body,
        out_type=(
            jax.ShapeDtypeStruct((_D, B), f32),
            jax.ShapeDtypeStruct((B * _K,), f32),
            jax.ShapeDtypeStruct((_NW * 128,), f32),
        ),
        mesh=mesh,
        compiler_params=pltpu.CompilerParams(needs_layout_passes=False),
        scratch_types=[
            pltpu.VMEM((_T, _CH), f32),
            pltpu.VMEM((_T * _D,), f32),
            pltpu.VMEM((8, _T), f32),
            pltpu.VMEM((8, _T), f32),
            pltpu.VMEM((_T,), f32),
            pltpu.VMEM((_RPW,), i32),
            pltpu.VMEM((_D, _CH), f32),
            pltpu.VMEM((_CH * _K,), f32),
            pltpu.VMEM((128,), f32),
        ],
    )(scoresT, op_idx.astype(i32).reshape(B), tile_values.T.reshape(_D * _T),
      cosph.reshape(_T), ctab, stab)

    res, aux = pl.pallas_call(
        _head_body,
        grid=(nb,),
        in_specs=[
            pl.BlockSpec((_D, _BLK), lambda i: (0, i)),
            pl.BlockSpec((_D, _BLK), lambda i: (0, i)),
            full(_D, 64), full(64, 1), full(64, 8), full(8, 1),
            full(_T, 1), full(_NW, 128),
        ],
        out_specs=(
            pl.BlockSpec((_BLK, 8), lambda i: (i, 0)),
            pl.BlockSpec((1, 1), lambda i: (0, 0)),
        ),
        out_shape=(
            jax.ShapeDtypeStruct((B, 8), f32),
            jax.ShapeDtypeStruct((1, 1), f32),
        ),
    )(x, outn, W_h1, b_h1.reshape(64, 1), W_h2,
      b_h2.reshape(8, 1), imp, loadp.reshape(_NW, 128))

    return res, gates.reshape(B, 1, _K), aux.reshape(())


def kernel(op_idx, a, b, c, op_embed, W_in, b_in, tile_keys, tile_values,
           tile_pos, gauge_phase, vortex_freq, W_h1, b_h1, W_h2, b_h2):
    return _run(op_idx, a, b, c, op_embed, W_in, b_in, tile_keys, tile_values,
                tile_pos, gauge_phase, vortex_freq, W_h1, b_h1, W_h2, b_h2)

# --- scband reference (transcript-rebuilt; emitter-appended) ---
"""Pipeline reference for scband-tri-x6502-geometri-x-65884798321351 (READ-ONLY COPY).

The authoritative reference and input builder live on the scoring server;
editing this copy changes nothing except your own understanding.
"""

import jax, jax.numpy as jnp
import numpy as np

B = 16384
D_MODEL = 128
NUM_TILES = 64
TOP_K = 4
MAX_SEQ = 8
SPREAD = 1.5


def setup_inputs(seed: int = 0) -> dict:
    key = jax.random.key(seed)
    ks = jax.random.split(key, 16)
    op_idx = jax.random.randint(ks[0], (B,), 0, 8)
    a = jax.random.randint(ks[1], (B,), 0, 256)
    b = jax.random.randint(ks[2], (B,), 0, 256)
    c = jax.random.randint(ks[3], (B,), 0, 2)
    op_embed = jax.random.normal(ks[4], (8, 32), dtype=jnp.float32) * 0.02
    W_in = jax.random.normal(ks[5], (49, D_MODEL), dtype=jnp.float32) * 0.05
    b_in = jnp.zeros((D_MODEL,), dtype=jnp.float32)
    tile_keys = jax.random.normal(ks[6], (NUM_TILES, D_MODEL), dtype=jnp.float32) * 0.05
    tile_values = jax.random.normal(ks[7], (NUM_TILES, D_MODEL), dtype=jnp.float32) * 0.05
    tile_pos = jnp.linspace(0.0, MAX_SEQ - 1.0, NUM_TILES).astype(jnp.float32)
    gauge_phase = jax.random.uniform(ks[8], (NUM_TILES,), dtype=jnp.float32) * (2.0 * np.pi)
    vortex_freq = jax.random.normal(ks[9], (NUM_TILES,), dtype=jnp.float32) * 0.1
    W_h1 = jax.random.normal(ks[10], (D_MODEL, 64), dtype=jnp.float32) * 0.05
    b_h1 = jnp.zeros((64,), dtype=jnp.float32)
    W_h2 = jax.random.normal(ks[11], (64, 8), dtype=jnp.float32) * 0.05
    b_h2 = jnp.zeros((8,), dtype=jnp.float32)
    return {"op_idx": op_idx, "a": a, "b": b, "c": c,
            "op_embed": op_embed, "W_in": W_in, "b_in": b_in,
            "tile_keys": tile_keys, "tile_values": tile_values, "tile_pos": tile_pos,
            "gauge_phase": gauge_phase, "vortex_freq": vortex_freq,
            "W_h1": W_h1, "b_h1": b_h1, "W_h2": W_h2, "b_h2": b_h2}


def reference(op_idx, a, b, c, op_embed, W_in, b_in, tile_keys, tile_values,
              tile_pos, gauge_phase, vortex_freq, W_h1, b_h1, W_h2, b_h2):
    # input encoding
    op_emb = jnp.take(op_embed, op_idx, axis=0)
    a_bits = jnp.stack([(a >> i) & 1 for i in range(8)], axis=1).astype(jnp.float32)
    b_bits = jnp.stack([(b >> i) & 1 for i in range(8)], axis=1).astype(jnp.float32)
    x = jnp.concatenate([op_emb, a_bits, b_bits, c[:, None].astype(jnp.float32)], axis=1)
    x = (x @ W_in + b_in)[:, None, :]  # [B, 1, d]
    positions = op_idx.astype(jnp.float32)[:, None]  # [B, 1]

    # SparseLookupFFNv3: geometric tile routing (MoE-style top-k lookup)
    scores = jnp.einsum('bsd,td->bst', x, tile_keys) / np.sqrt(D_MODEL)
    geo = -((positions[..., None] - tile_pos) ** 2) / (2.0 * SPREAD ** 2)
    scores = scores + geo  # [B, 1, T]
    vals, idx = jax.lax.top_k(scores, TOP_K)  # [B, 1, k]
    gates = jax.nn.softmax(vals, axis=-1)
    v = jnp.take(tile_values, idx, axis=0)  # [B, 1, k, d]
    # gauge modulation
    g = jnp.cos(jnp.take(gauge_phase, idx, axis=0))[..., None]
    v = v * g
    # vortex rotation of dim pairs
    theta = jnp.take(vortex_freq, idx, axis=0) * positions[..., None]  # [B, 1, k]
    ct = jnp.cos(theta)[..., None]
    st = jnp.sin(theta)[..., None]
    v1 = v[..., 0::2]
    v2 = v[..., 1::2]
    r1 = v1 * ct - v2 * st
    r2 = v1 * st + v2 * ct
    v = jnp.stack([r1, r2], axis=-1).reshape(v.shape)
    out = jnp.sum(gates[..., None] * v, axis=-2) + x  # residual, [B, 1, d]

    # topology / load-balance aux
    probs = jax.nn.softmax(scores, axis=-1)
    importance = probs.mean(axis=(0, 1))
    load = jnp.zeros((NUM_TILES,), dtype=jnp.float32).at[idx.reshape(-1)].add(gates.reshape(-1)) / gates.size
    aux = NUM_TILES * jnp.sum(importance * load)
    info = gates

    # result head
    h = out[:, 0, :]
    h = jax.nn.relu(h @ W_h1 + b_h1)
    result = jax.nn.sigmoid(h @ W_h2 + b_h2)
    return (result, info, aux)

if __name__ == "__main__":
    import jax
    _d = setup_inputs()
    print(jax.jit(kernel)(*tuple(_d.values())))

</pallas_src>

<mosaic_0001>
#map = affine_map<(d0, d1) -> (0, 0)>
#map1 = affine_map<(d0, d1) -> (0)>
module attributes {stable_mosaic.version = 14 : i64} {
  func.func @_route_body(%arg0: i32, %arg1: i32, %arg2: memref<64x16384xf32, #tpu.memory_space<hbm>>, %arg3: memref<16384xi32, #tpu.memory_space<hbm>>, %arg4: memref<8192xf32, #tpu.memory_space<hbm>>, %arg5: memref<64xf32, #tpu.memory_space<hbm>>, %arg6: memref<8x64xf32, #tpu.memory_space<hbm>>, %arg7: memref<8x64xf32, #tpu.memory_space<hbm>>, %arg8: memref<128x16384xf32, #tpu.memory_space<hbm>>, %arg9: memref<65536xf32, #tpu.memory_space<hbm>>, %arg10: memref<4096xf32, #tpu.memory_space<hbm>>, %arg11: memref<64x128xf32, #tpu.memory_space<vmem>>, %arg12: memref<8192xf32, #tpu.memory_space<vmem>>, %arg13: memref<8x64xf32, #tpu.memory_space<vmem>>, %arg14: memref<8x64xf32, #tpu.memory_space<vmem>>, %arg15: memref<64xf32, #tpu.memory_space<vmem>>, %arg16: memref<512xi32, #tpu.memory_space<vmem>>, %arg17: memref<128x128xf32, #tpu.memory_space<vmem>>, %arg18: memref<512xf32, #tpu.memory_space<vmem>>, %arg19: memref<128xf32, #tpu.memory_space<vmem>>) attributes {dimension_semantics = [#tpu.dimension_semantics<core_parallel>, #tpu.dimension_semantics<subcore_parallel>], iteration_bounds = array<i64: 2, 16>, scalar_prefetch = 0 : i64, scratch_operands = 9 : i64, tpu.core_type = #tpu.core_type<sc_vector_subcore>, window_params = [{transform_indices = #map}, {transform_indices = #map1}, {transform_indices = #map1}, {transform_indices = #map1}, {transform_indices = #map}, {transform_indices = #map}, {transform_indices = #map}, {transform_indices = #map1}, {transform_indices = #map1}]} {
    %mul3A = arith.constant 2 : i32
    %mul3A_0 = arith.muli %arg1, %mul3A : i32
    %add3A = arith.addi %mul3A_0, %arg0 : i32
    %mul3A_1 = arith.constant 512 : i32
    %mul3A_2 = arith.muli %add3A, %mul3A_1 : i32
    %multiple_of3A = tpu.assume_multiple %mul3A_2, 128 : i32
    "tpu.region"() ({
      %run_scoped3A = tpu.sem_alloc : memref<!tpu.dma_semaphore, #tpu.memory_space<semaphore_mem>>
      %dma_start3A = tpu.memref_slice %arg3[%multiple_of3A] : memref<16384xi32, #tpu.memory_space<hbm>> -> memref<512xi32, #tpu.memory_space<hbm>>
      %dma_start3A_28 = tpu.memref_slice %arg3[%multiple_of3A] : memref<16384xi32, #tpu.memory_space<hbm>> -> memref<512xi32, #tpu.memory_space<hbm>>
      tpu.enqueue_dma source(%dma_start3A_28 : memref<512xi32, #tpu.memory_space<hbm>>) target(%arg16 : memref<512xi32, #tpu.memory_space<vmem>>) target_semaphore(%run_scoped3A : memref<!tpu.dma_semaphore, #tpu.memory_space<semaphore_mem>>)
      %dma_wait3A = tpu.memref_slice %arg3[%multiple_of3A] : memref<16384xi32, #tpu.memory_space<hbm>> -> memref<512xi32, #tpu.memory_space<hbm>>
      %dma_wait3A_29 = tpu.memref_slice %arg3[%multiple_of3A] : memref<16384xi32, #tpu.memory_space<hbm>> -> memref<512xi32, #tpu.memory_space<hbm>>
      tpu.wait_dma2 semaphore(%run_scoped3A : memref<!tpu.dma_semaphore, #tpu.memory_space<semaphore_mem>>) src(%dma_wait3A_29 : memref<512xi32, #tpu.memory_space<hbm>>) dst(%arg16 : memref<512xi32, #tpu.memory_space<vmem>>)
      tpu.yield
    }) : () -> ()
    "tpu.region"() ({
      %run_scoped3A = tpu.sem_alloc : memref<!tpu.dma_semaphore, #tpu.memory_space<semaphore_mem>>
      tpu.enqueue_dma source(%arg4 : memref<8192xf32, #tpu.memory_space<hbm>>) target(%arg12 : memref<8192xf32, #tpu.memory_space<vmem>>) target_semaphore(%run_scoped3A : memref<!tpu.dma_semaphore, #tpu.memory_space<semaphore_mem>>)
      tpu.wait_dma2 semaphore(%run_scoped3A : memref<!tpu.dma_semaphore, #tpu.memory_space<semaphore_mem>>) src(%arg4 : memref<8192xf32, #tpu.memory_space<hbm>>) dst(%arg12 : memref<8192xf32, #tpu.memory_space<vmem>>)
      tpu.yield
    }) : () -> ()
    "tpu.region"() ({
      %run_scoped3A = tpu.sem_alloc : memref<!tpu.dma_semaphore, #tpu.memory_space<semaphore_mem>>
      tpu.enqueue_dma source(%arg6 : memref<8x64xf32, #tpu.memory_space<hbm>>) target(%arg13 : memref<8x64xf32, #tpu.memory_space<vmem>>) target_semaphore(%run_scoped3A : memref<!tpu.dma_semaphore, #tpu.memory_space<semaphore_mem>>)
      tpu.wait_dma2 semaphore(%run_scoped3A : memref<!tpu.dma_semaphore, #tpu.memory_space<semaphore_mem>>) src(%arg6 : memref<8x64xf32, #tpu.memory_space<hbm>>) dst(%arg13 : memref<8x64xf32, #tpu.memory_space<vmem>>)
      tpu.yield
    }) : () -> ()
    "tpu.region"() ({
      %run_scoped3A = tpu.sem_alloc : memref<!tpu.dma_semaphore, #tpu.memory_space<semaphore_mem>>
      tpu.enqueue_dma source(%arg7 : memref<8x64xf32, #tpu.memory_space<hbm>>) target(%arg14 : memref<8x64xf32, #tpu.memory_space<vmem>>) target_semaphore(%run_scoped3A : memref<!tpu.dma_semaphore, #tpu.memory_space<semaphore_mem>>)
      tpu.wait_dma2 semaphore(%run_scoped3A : memref<!tpu.dma_semaphore, #tpu.memory_space<semaphore_mem>>) src(%arg7 : memref<8x64xf32, #tpu.memory_space<hbm>>) dst(%arg14 : memref<8x64xf32, #tpu.memory_space<vmem>>)
      tpu.yield
    }) : () -> ()
    "tpu.region"() ({
      %run_scoped3A = tpu.sem_alloc : memref<!tpu.dma_semaphore, #tpu.memory_space<semaphore_mem>>
      tpu.enqueue_dma source(%arg5 : memref<64xf32, #tpu.memory_space<hbm>>) target(%arg15 : memref<64xf32, #tpu.memory_space<vmem>>) target_semaphore(%run_scoped3A : memref<!tpu.dma_semaphore, #tpu.memory_space<semaphore_mem>>)
      tpu.wait_dma2 semaphore(%run_scoped3A : memref<!tpu.dma_semaphore, #tpu.memory_space<semaphore_mem>>) src(%arg5 : memref<64xf32, #tpu.memory_space<hbm>>) dst(%arg15 : memref<64xf32, #tpu.memory_space<vmem>>)
      tpu.yield
    }) : () -> ()
    %iota3A = tpu.iota {dimensions = array<i32: 0>} : vector<16xi32>
    %broadcast_in_dim3A = arith.constant 0.000000e+00 : f32
    %broadcast_in_dim3A_3 = vector.broadcast %broadcast_in_dim3A : f32 to vector<16xf32>
    %swap3A = arith.constant 0 : index
    %swap3A_4 = tpu.vector_load %arg19[%swap3A] {strides = array<i32>} : memref<128xf32, #tpu.memory_space<vmem>>, vector<16xf32>,
    tpu.vector_store %arg19[%swap3A], %broadcast_in_dim3A_3 {strides = array<i32>} : memref<128xf32, #tpu.memory_space<vmem>>, vector<16xf32>,
    %swap3A_5 = arith.constant 16 : index
    %swap3A_6 = tpu.vector_load %arg19[%swap3A_5] {strides = array<i32>} : memref<128xf32, #tpu.memory_space<vmem>>, vector<16xf32>,
    tpu.vector_store %arg19[%swap3A_5], %broadcast_in_dim3A_3 {strides = array<i32>} : memref<128xf32, #tpu.memory_space<vmem>>, vector<16xf32>,
    %swap3A_7 = arith.constant 32 : index
    %swap3A_8 = tpu.vector_load %arg19[%swap3A_7] {strides = array<i32>} : memref<128xf32, #tpu.memory_space<vmem>>, vector<16xf32>,
    tpu.vector_store %arg19[%swap3A_7], %broadcast_in_dim3A_3 {strides = array<i32>} : memref<128xf32, #tpu.memory_space<vmem>>, vector<16xf32>,
    %swap3A_9 = arith.constant 48 : index
    %swap3A_10 = tpu.vector_load %arg19[%swap3A_9] {strides = array<i32>} : memref<128xf32, #tpu.memory_space<vmem>>, vector<16xf32>,
    tpu.vector_store %arg19[%swap3A_9], %broadcast_in_dim3A_3 {strides = array<i32>} : memref<128xf32, #tpu.memory_space<vmem>>, vector<16xf32>,
    %swap3A_11 = arith.constant 64 : index
    %swap3A_12 = tpu.vector_load %arg19[%swap3A_11] {strides = array<i32>} : memref<128xf32, #tpu.memory_space<vmem>>, vector<16xf32>,
    tpu.vector_store %arg19[%swap3A_11], %broadcast_in_dim3A_3 {strides = array<i32>} : memref<128xf32, #tpu.memory_space<vmem>>, vector<16xf32>,
    %swap3A_13 = arith.constant 80 : index
    %swap3A_14 = tpu.vector_load %arg19[%swap3A_13] {strides = array<i32>} : memref<128xf32, #tpu.memory_space<vmem>>, vector<16xf32>,
    tpu.vector_store %arg19[%swap3A_13], %broadcast_in_dim3A_3 {strides = array<i32>} : memref<128xf32, #tpu.memory_space<vmem>>, vector<16xf32>,
    %swap3A_15 = arith.constant 96 : index
    %swap3A_16 = tpu.vector_load %arg19[%swap3A_15] {strides = array<i32>} : memref<128xf32, #tpu.memory_space<vmem>>, vector<16xf32>,
    tpu.vector_store %arg19[%swap3A_15], %broadcast_in_dim3A_3 {strides = array<i32>} : memref<128xf32, #tpu.memory_space<vmem>>, vector<16xf32>,
    %swap3A_17 = arith.constant 112 : index
    %swap3A_18 = tpu.vector_load %arg19[%swap3A_17] {strides = array<i32>} : memref<128xf32, #tpu.memory_space<vmem>>, vector<16xf32>,
    tpu.vector_store %arg19[%swap3A_17], %broadcast_in_dim3A_3 {strides = array<i32>} : memref<128xf32, #tpu.memory_space<vmem>>, vector<16xf32>,
    %scan3A = arith.constant 0 : i32
    %scan3A_19 = arith.constant 0 : i32
    %scan3A_20 = arith.constant 4 : i32
    %scan3A_21 = arith.addi %scan3A_19, %scan3A_20 : i32
    %scan3A_22 = arith.constant 1 : i32
    %scan3A_23 = scf.for %scan3A_28 = %scan3A_19 to %scan3A_21 step %scan3A_22 iter_args(%scan3A_29 = %scan3A) -> (i32)  : i32 {
      %mul3A_30 = arith.constant 128 : i32
      %mul3A_31 = arith.muli %scan3A_28, %mul3A_30 : i32
      %add3A_32 = arith.addi %multiple_of3A, %mul3A_31 : i32
      %multiple_of3A_33 = tpu.assume_multiple %add3A_32, 128 : i32
      "tpu.region"() ({
        %run_scoped3A = tpu.sem_alloc : memref<!tpu.dma_semaphore, #tpu.memory_space<semaphore_mem>>
        %dma_start3A = arith.constant 0 : i32
        %dma_start3A_45 = tpu.memref_slice %arg2[%dma_start3A, %multiple_of3A_33] : memref<64x16384xf32, #tpu.memory_space<hbm>> -> memref<64x128xf32, #tpu.memory_space<hbm>>
        %dma_start3A_46 = arith.constant 0 : i32
        %dma_start3A_47 = tpu.memref_slice %arg2[%dma_start3A_46, %multiple_of3A_33] : memref<64x16384xf32, #tpu.memory_space<hbm>> -> memref<64x128xf32, #tpu.memory_space<hbm>>
        tpu.enqueue_dma source(%dma_start3A_47 : memref<64x128xf32, #tpu.memory_space<hbm>>) target(%arg11 : memref<64x128xf32, #tpu.memory_space<vmem>>) target_semaphore(%run_scoped3A : memref<!tpu.dma_semaphore, #tpu.memory_space<semaphore_mem>>)
        %dma_wait3A = arith.constant 0 : i32
        %dma_wait3A_48 = tpu.memref_slice %arg2[%dma_wait3A, %multiple_of3A_33] : memref<64x16384xf32, #tpu.memory_space<hbm>> -> memref<64x128xf32, #tpu.memory_space<hbm>>
        %dma_wait3A_49 = arith.constant 0 : i32
        %dma_wait3A_50 = tpu.memref_slice %arg2[%dma_wait3A_49, %multiple_of3A_33] : memref<64x16384xf32, #tpu.memory_space<hbm>> -> memref<64x128xf32, #tpu.memory_space<hbm>>
        tpu.wait_dma2 semaphore(%run_scoped3A : memref<!tpu.dma_semaphore, #tpu.memory_space<semaphore_mem>>) src(%dma_wait3A_50 : memref<64x128xf32, #tpu.memory_space<hbm>>) dst(%arg11 : memref<64x128xf32, #tpu.memory_space<vmem>>)
        tpu.yield
      }) : () -> ()
      %scan3A_34 = arith.constant 0 : i32
      %scan3A_35 = arith.constant 0 : i32
      %scan3A_36 = arith.constant 8 : i32
      %scan3A_37 = arith.addi %scan3A_35, %scan3A_36 : i32
      %scan3A_38 = arith.constant 1 : i32
      %scan3A_39 = scf.for %scan3A_45 = %scan3A_35 to %scan3A_37 step %scan3A_38 iter_args(%scan3A_46 = %scan3A_34) -> (i32)  : i32 {
        %mul3A_47 = arith.constant 16 : i32
        %mul3A_48 = arith.muli %scan3A_45, %mul3A_47 : i32
        %mul3A_49 = arith.constant 128 : i32
        %mul3A_50 = arith.muli %scan3A_28, %mul3A_49 : i32
        %add3A_51 = arith.addi %mul3A_50, %mul3A_48 : i32
        %get3A = arith.index_cast %add3A_51 : i32 to index
        %get3A_52 = tpu.vector_load %arg16[%get3A] {strides = array<i32>} : memref<512xi32, #tpu.memory_space<vmem>>, vector<16xi32>,
        %add3A_53 = vector.broadcast %mul3A_48 : i32 to vector<16xi32>
        %add3A_54 = arith.addi %add3A_53, %iota3A : vector<16xi32>
        %broadcast_in_dim3A_55 = arith.constant -1.000000e+30 : f32
        %broadcast_in_dim3A_56 = vector.broadcast %broadcast_in_dim3A_55 : f32 to vector<16xf32>
        %broadcast_in_dim3A_57 = arith.constant -1.000000e+30 : f32
        %broadcast_in_dim3A_58 = vector.broadcast %broadcast_in_dim3A_57 : f32 to vector<16xf32>
        %broadcast_in_dim3A_59 = arith.constant -1.000000e+30 : f32
        %broadcast_in_dim3A_60 = vector.broadcast %broadcast_in_dim3A_59 : f32 to vector<16xf32>
        %broadcast_in_dim3A_61 = arith.constant -1.000000e+30 : f32
        %broadcast_in_dim3A_62 = vector.broadcast %broadcast_in_dim3A_61 : f32 to vector<16xf32>
        %broadcast_in_dim3A_63 = arith.constant 0 : i32
        %broadcast_in_dim3A_64 = vector.broadcast %broadcast_in_dim3A_63 : i32 to vector<16xi32>
        %broadcast_in_dim3A_65 = arith.constant 0 : i32
        %broadcast_in_dim3A_66 = vector.broadcast %broadcast_in_dim3A_65 : i32 to vector<16xi32>
        %broadcast_in_dim3A_67 = arith.constant 0 : i32
        %broadcast_in_dim3A_68 = vector.broadcast %broadcast_in_dim3A_67 : i32 to vector<16xi32>
        %broadcast_in_dim3A_69 = arith.constant 0 : i32
        %broadcast_in_dim3A_70 = vector.broadcast %broadcast_in_dim3A_69 : i32 to vector<16xi32>
        %scan3A_71 = arith.constant 0 : i32
        %scan3A_72 = arith.constant 64 : i32
        %scan3A_73 = arith.addi %scan3A_71, %scan3A_72 : i32
        %scan3A_74 = arith.constant 8 : i32
        %scan3A_75:8 = scf.for %scan3A_130 = %scan3A_71 to %scan3A_73 step %scan3A_74 iter_args(%scan3A_131 = %broadcast_in_dim3A_56, %scan3A_132 = %broadcast_in_dim3A_58, %scan3A_133 = %broadcast_in_dim3A_60, %scan3A_134 = %broadcast_in_dim3A_62, %scan3A_135 = %broadcast_in_dim3A_64, %scan3A_136 = %broadcast_in_dim3A_66, %scan3A_137 = %broadcast_in_dim3A_68, %scan3A_138 = %broadcast_in_dim3A_70) -> (vector<16xf32>, vector<16xf32>, vector<16xf32>, vector<16xf32>, vector<16xi32>, vector<16xi32>, vector<16xi32>, vector<16xi32>)  : i32 {
          %get3A_139 = arith.index_cast %scan3A_130 : i32 to index
          %get3A_140 = arith.index_cast %mul3A_48 : i32 to index
          %get3A_141 = tpu.vector_load %arg11[%get3A_139, %get3A_140] {strides = array<i32>} : memref<64x128xf32, #tpu.memory_space<vmem>>, vector<16xf32>,
          %broadcast_in_dim3A_142 = vector.broadcast %scan3A_130 : i32 to vector<16xi32>
          %gt3A = arith.cmpf ogt, %get3A_141, %scan3A_131 : vector<16xf32>
          %select_n3A = arith.select %gt3A, %get3A_141, %scan3A_131 : vector<16xi1>, vector<16xf32>
          %select_n3A_143 = arith.select %gt3A, %broadcast_in_dim3A_142, %scan3A_135 : vector<16xi1>, vector<16xi32>
          %select_n3A_144 = arith.select %gt3A, %scan3A_131, %get3A_141 : vector<16xi1>, vector<16xf32>
          %select_n3A_145 = arith.select %gt3A, %scan3A_135, %broadcast_in_dim3A_142 : vector<16xi1>, vector<16xi32>
          %gt3A_146 = arith.cmpf ogt, %select_n3A_144, %scan3A_132 : vector<16xf32>
          %select_n3A_147 = arith.select %gt3A_146, %select_n3A_144, %scan3A_132 : vector<16xi1>, vector<16xf32>
          %select_n3A_148 = arith.select %gt3A_146, %select_n3A_145, %scan3A_136 : vector<16xi1>, vector<16xi32>
          %select_n3A_149 = arith.select %gt3A_146, %scan3A_132, %select_n3A_144 : vector<16xi1>, vector<16xf32>
          %select_n3A_150 = arith.select %gt3A_146, %scan3A_136, %select_n3A_145 : vector<16xi1>, vector<16xi32>
          %gt3A_151 = arith.cmpf ogt, %select_n3A_149, %scan3A_133 : vector<16xf32>
          %select_n3A_152 = arith.select %gt3A_151, %select_n3A_149, %scan3A_133 : vector<16xi1>, vector<16xf32>
          %select_n3A_153 = arith.select %gt3A_151, %select_n3A_150, %scan3A_137 : vector<16xi1>, vector<16xi32>
          %select_n3A_154 = arith.select %gt3A_151, %scan3A_133, %select_n3A_149 : vector<16xi1>, vector<16xf32>
          %select_n3A_155 = arith.select %gt3A_151, %scan3A_137, %select_n3A_150 : vector<16xi1>, vector<16xi32>
          %gt3A_156 = arith.cmpf ogt, %select_n3A_154, %scan3A_134 : vector<16xf32>
          %select_n3A_157 = arith.select %gt3A_156, %select_n3A_154, %scan3A_134 : vector<16xi1>, vector<16xf32>
          %select_n3A_158 = arith.select %gt3A_156, %select_n3A_155, %scan3A_138 : vector<16xi1>, vector<16xi32>
          %select_n3A_159 = arith.select %gt3A_156, %scan3A_134, %select_n3A_154 : vector<16xi1>, vector<16xf32>
          %select_n3A_160 = arith.select %gt3A_156, %scan3A_138, %select_n3A_155 : vector<16xi1>, vector<16xi32>
          %scan3A_161 = arith.constant 1 : i32
          %scan3A_162 = arith.addi %scan3A_130, %scan3A_161 : i32
          %get3A_163 = arith.index_cast %scan3A_162 : i32 to index
          %get3A_164 = arith.index_cast %mul3A_48 : i32 to index
          %get3A_165 = tpu.vector_load %arg11[%get3A_163, %get3A_164] {strides = array<i32>} : memref<64x128xf32, #tpu.memory_space<vmem>>, vector<16xf32>,
          %broadcast_in_dim3A_166 = vector.broadcast %scan3A_162 : i32 to vector<16xi32>
          %gt3A_167 = arith.cmpf ogt, %get3A_165, %select_n3A : vector<16xf32>
          %select_n3A_168 = arith.select %gt3A_167, %get3A_165, %select_n3A : vector<16xi1>, vector<16xf32>
          %select_n3A_169 = arith.select %gt3A_167, %broadcast_in_dim3A_166, %select_n3A_143 : vector<16xi1>, vector<16xi32>
          %select_n3A_170 = arith.select %gt3A_167, %select_n3A, %get3A_165 : vector<16xi1>, vector<16xf32>
          %select_n3A_171 = arith.select %gt3A_167, %select_n3A_143, %broadcast_in_dim3A_166 : vector<16xi1>, vector<16xi32>
          %gt3A_172 = arith.cmpf ogt, %select_n3A_170, %select_n3A_147 : vector<16xf32>
          %select_n3A_173 = arith.select %gt3A_172, %select_n3A_170, %select_n3A_147 : vector<16xi1>, vector<16xf32>
          %select_n3A_174 = arith.select %gt3A_172, %select_n3A_171, %select_n3A_148 : vector<16xi1>, vector<16xi32>
          %select_n3A_175 = arith.select %gt3A_172, %select_n3A_147, %select_n3A_170 : vector<16xi1>, vector<16xf32>
          %select_n3A_176 = arith.select %gt3A_172, %select_n3A_148, %select_n3A_171 : vector<16xi1>, vector<16xi32>
          %gt3A_177 = arith.cmpf ogt, %select_n3A_175, %select_n3A_152 : vector<16xf32>
          %select_n3A_178 = arith.select %gt3A_177, %select_n3A_175, %select_n3A_152 : vector<16xi1>, vector<16xf32>
          %select_n3A_179 = arith.select %gt3A_177, %select_n3A_176, %select_n3A_153 : vector<16xi1>, vector<16xi32>
          %select_n3A_180 = arith.select %gt3A_177, %select_n3A_152, %select_n3A_175 : vector<16xi1>, vector<16xf32>
          %select_n3A_181 = arith.select %gt3A_177, %select_n3A_153, %select_n3A_176 : vector<16xi1>, vector<16xi32>
          %gt3A_182 = arith.cmpf ogt, %select_n3A_180, %select_n3A_157 : vector<16xf32>
          %select_n3A_183 = arith.select %gt3A_182, %select_n3A_180, %select_n3A_157 : vector<16xi1>, vector<16xf32>
          %select_n3A_184 = arith.select %gt3A_182, %select_n3A_181, %select_n3A_158 : vector<16xi1>, vector<16xi32>
          %select_n3A_185 = arith.select %gt3A_182, %select_n3A_157, %select_n3A_180 : vector<16xi1>, vector<16xf32>
          %select_n3A_186 = arith.select %gt3A_182, %select_n3A_158, %select_n3A_181 : vector<16xi1>, vector<16xi32>
          %scan3A_187 = arith.constant 2 : i32
          %scan3A_188 = arith.addi %scan3A_130, %scan3A_187 : i32
          %get3A_189 = arith.index_cast %scan3A_188 : i32 to index
          %get3A_190 = arith.index_cast %mul3A_48 : i32 to index
          %get3A_191 = tpu.vector_load %arg11[%get3A_189, %get3A_190] {strides = array<i32>} : memref<64x128xf32, #tpu.memory_space<vmem>>, vector<16xf32>,
          %broadcast_in_dim3A_192 = vector.broadcast %scan3A_188 : i32 to vector<16xi32>
          %gt3A_193 = arith.cmpf ogt, %get3A_191, %select_n3A_168 : vector<16xf32>
          %select_n3A_194 = arith.select %gt3A_193, %get3A_191, %select_n3A_168 : vector<16xi1>, vector<16xf32>
          %select_n3A_195 = arith.select %gt3A_193, %broadcast_in_dim3A_192, %select_n3A_169 : vector<16xi1>, vector<16xi32>
          %select_n3A_196 = arith.select %gt3A_193, %select_n3A_168, %get3A_191 : vector<16xi1>, vector<16xf32>
          %select_n3A_197 = arith.select %gt3A_193, %select_n3A_169, %broadcast_in_dim3A_192 : vector<16xi1>, vector<16xi32>
          %gt3A_198 = arith.cmpf ogt, %select_n3A_196, %select_n3A_173 : vector<16xf32>
          %select_n3A_199 = arith.select %gt3A_198, %select_n3A_196, %select_n3A_173 : vector<16xi1>, vector<16xf32>
          %select_n3A_200 = arith.select %gt3A_198, %select_n3A_197, %select_n3A_174 : vector<16xi1>, vector<16xi32>
          %select_n3A_201 = arith.select %gt3A_198, %select_n3A_173, %select_n3A_196 : vector<16xi1>, vector<16xf32>
          %select_n3A_202 = arith.select %gt3A_198, %select_n3A_174, %select_n3A_197 : vector<16xi1>, vector<16xi32>
          %gt3A_203 = arith.cmpf ogt, %select_n3A_201, %select_n3A_178 : vector<16xf32>
          %select_n3A_204 = arith.select %gt3A_203, %select_n3A_201, %select_n3A_178 : vector<16xi1>, vector<16xf32>
          %select_n3A_205 = arith.select %gt3A_203, %select_n3A_202, %select_n3A_179 : vector<16xi1>, vector<16xi32>
          %select_n3A_206 = arith.select %gt3A_203, %select_n3A_178, %select_n3A_201 : vector<16xi1>, vector<16xf32>
          %select_n3A_207 = arith.select %gt3A_203, %select_n3A_179, %select_n3A_202 : vector<16xi1>, vector<16xi32>
          %gt3A_208 = arith.cmpf ogt, %select_n3A_206, %select_n3A_183 : vector<16xf32>
          %select_n3A_209 = arith.select %gt3A_208, %select_n3A_206, %select_n3A_183 : vector<16xi1>, vector<16xf32>
          %select_n3A_210 = arith.select %gt3A_208, %select_n3A_207, %select_n3A_184 : vector<16xi1>, vector<16xi32>
          %select_n3A_211 = arith.select %gt3A_208, %select_n3A_183, %select_n3A_206 : vector<16xi1>, vector<16xf32>
          %select_n3A_212 = arith.select %gt3A_208, %select_n3A_184, %select_n3A_207 : vector<16xi1>, vector<16xi32>
          %scan3A_213 = arith.constant 3 : i32
          %scan3A_214 = arith.addi %scan3A_130, %scan3A_213 : i32
          %get3A_215 = arith.index_cast %scan3A_214 : i32 to index
          %get3A_216 = arith.index_cast %mul3A_48 : i32 to index
          %get3A_217 = tpu.vector_load %arg11[%get3A_215, %get3A_216] {strides = array<i32>} : memref<64x128xf32, #tpu.memory_space<vmem>>, vector<16xf32>,
          %broadcast_in_dim3A_218 = vector.broadcast %scan3A_214 : i32 to vector<16xi32>
          %gt3A_219 = arith.cmpf ogt, %get3A_217, %select_n3A_194 : vector<16xf32>
          %select_n3A_220 = arith.select %gt3A_219, %get3A_217, %select_n3A_194 : vector<16xi1>, vector<16xf32>
          %select_n3A_221 = arith.select %gt3A_219, %broadcast_in_dim3A_218, %select_n3A_195 : vector<16xi1>, vector<16xi32>
          %select_n3A_222 = arith.select %gt3A_219, %select_n3A_194, %get3A_217 : vector<16xi1>, vector<16xf32>
          %select_n3A_223 = arith.select %gt3A_219, %select_n3A_195, %broadcast_in_dim3A_218 : vector<16xi1>, vector<16xi32>
          %gt3A_224 = arith.cmpf ogt, %select_n3A_222, %select_n3A_199 : vector<16xf32>
          %select_n3A_225 = arith.select %gt3A_224, %select_n3A_222, %select_n3A_199 : vector<16xi1>, vector<16xf32>
          %select_n3A_226 = arith.select %gt3A_224, %select_n3A_223, %select_n3A_200 : vector<16xi1>, vector<16xi32>
          %select_n3A_227 = arith.select %gt3A_224, %select_n3A_199, %select_n3A_222 : vector<16xi1>, vector<16xf32>
          %select_n3A_228 = arith.select %gt3A_224, %select_n3A_200, %select_n3A_223 : vector<16xi1>, vector<16xi32>
          %gt3A_229 = arith.cmpf ogt, %select_n3A_227, %select_n3A_204 : vector<16xf32>
          %select_n3A_230 = arith.select %gt3A_229, %select_n3A_227, %select_n3A_204 : vector<16xi1>, vector<16xf32>
          %select_n3A_231 = arith.select %gt3A_229, %select_n3A_228, %select_n3A_205 : vector<16xi1>, vector<16xi32>
          %select_n3A_232 = arith.select %gt3A_229, %select_n3A_204, %select_n3A_227 : vector<16xi1>, vector<16xf32>
          %select_n3A_233 = arith.select %gt3A_229, %select_n3A_205, %select_n3A_228 : vector<16xi1>, vector<16xi32>
          %gt3A_234 = arith.cmpf ogt, %select_n3A_232, %select_n3A_209 : vector<16xf32>
          %select_n3A_235 = arith.select %gt3A_234, %select_n3A_232, %select_n3A_209 : vector<16xi1>, vector<16xf32>
          %select_n3A_236 = arith.select %gt3A_234, %select_n3A_233, %select_n3A_210 : vector<16xi1>, vector<16xi32>
          %select_n3A_237 = arith.select %gt3A_234, %select_n3A_209, %select_n3A_232 : vector<16xi1>, vector<16xf32>
          %select_n3A_238 = arith.select %gt3A_234, %select_n3A_210, %select_n3A_233 : vector<16xi1>, vector<16xi32>
          %scan3A_239 = arith.constant 4 : i32
          %scan3A_240 = arith.addi %scan3A_130, %scan3A_239 : i32
          %get3A_241 = arith.index_cast %scan3A_240 : i32 to index
          %get3A_242 = arith.index_cast %mul3A_48 : i32 to index
          %get3A_243 = tpu.vector_load %arg11[%get3A_241, %get3A_242] {strides = array<i32>} : memref<64x128xf32, #tpu.memory_space<vmem>>, vector<16xf32>,
          %broadcast_in_dim3A_244 = vector.broadcast %scan3A_240 : i32 to vector<16xi32>
          %gt3A_245 = arith.cmpf ogt, %get3A_243, %select_n3A_220 : vector<16xf32>
          %select_n3A_246 = arith.select %gt3A_245, %get3A_243, %select_n3A_220 : vector<16xi1>, vector<16xf32>
          %select_n3A_247 = arith.select %gt3A_245, %broadcast_in_dim3A_244, %select_n3A_221 : vector<16xi1>, vector<16xi32>
          %select_n3A_248 = arith.select %gt3A_245, %select_n3A_220, %get3A_243 : vector<16xi1>, vector<16xf32>
          %select_n3A_249 = arith.select %gt3A_245, %select_n3A_221, %broadcast_in_dim3A_244 : vector<16xi1>, vector<16xi32>
          %gt3A_250 = arith.cmpf ogt, %select_n3A_248, %select_n3A_225 : vector<16xf32>
          %select_n3A_251 = arith.select %gt3A_250, %select_n3A_248, %select_n3A_225 : vector<16xi1>, vector<16xf32>
          %select_n3A_252 = arith.select %gt3A_250, %select_n3A_249, %select_n3A_226 : vector<16xi1>, vector<16xi32>
          %select_n3A_253 = arith.select %gt3A_250, %select_n3A_225, %select_n3A_248 : vector<16xi1>, vector<16xf32>
          %select_n3A_254 = arith.select %gt3A_250, %select_n3A_226, %select_n3A_249 : vector<16xi1>, vector<16xi32>
          %gt3A_255 = arith.cmpf ogt, %select_n3A_253, %select_n3A_230 : vector<16xf32>
          %select_n3A_256 = arith.select %gt3A_255, %select_n3A_253, %select_n3A_230 : vector<16xi1>, vector<16xf32>
          %select_n3A_257 = arith.select %gt3A_255, %select_n3A_254, %select_n3A_231 : vector<16xi1>, vector<16xi32>
          %select_n3A_258 = arith.select %gt3A_255, %select_n3A_230, %select_n3A_253 : vector<16xi1>, vector<16xf32>
          %select_n3A_259 = arith.select %gt3A_255, %select_n3A_231, %select_n3A_254 : vector<16xi1>, vector<16xi32>
          %gt3A_260 = arith.cmpf ogt, %select_n3A_258, %select_n3A_235 : vector<16xf32>
          %select_n3A_261 = arith.select %gt3A_260, %select_n3A_258, %select_n3A_235 : vector<16xi1>, vector<16xf32>
          %select_n3A_262 = arith.select %gt3A_260, %select_n3A_259, %select_n3A_236 : vector<16xi1>, vector<16xi32>
          %select_n3A_263 = arith.select %gt3A_260, %select_n3A_235, %select_n3A_258 : vector<16xi1>, vector<16xf32>
          %select_n3A_264 = arith.select %gt3A_260, %select_n3A_236, %select_n3A_259 : vector<16xi1>, vector<16xi32>
          %scan3A_265 = arith.constant 5 : i32
          %scan3A_266 = arith.addi %scan3A_130, %scan3A_265 : i32
          %get3A_267 = arith.index_cast %scan3A_266 : i32 to index
          %get3A_268 = arith.index_cast %mul3A_48 : i32 to index
          %get3A_269 = tpu.vector_load %arg11[%get3A_267, %get3A_268] {strides = array<i32>} : memref<64x128xf32, #tpu.memory_space<vmem>>, vector<16xf32>,
          %broadcast_in_dim3A_270 = vector.broadcast %scan3A_266 : i32 to vector<16xi32>
          %gt3A_271 = arith.cmpf ogt, %get3A_269, %select_n3A_246 : vector<16xf32>
          %select_n3A_272 = arith.select %gt3A_271, %get3A_269, %select_n3A_246 : vector<16xi1>, vector<16xf32>
          %select_n3A_273 = arith.select %gt3A_271, %broadcast_in_dim3A_270, %select_n3A_247 : vector<16xi1>, vector<16xi32>
          %select_n3A_274 = arith.select %gt3A_271, %select_n3A_246, %get3A_269 : vector<16xi1>, vector<16xf32>
          %select_n3A_275 = arith.select %gt3A_271, %select_n3A_247, %broadcast_in_dim3A_270 : vector<16xi1>, vector<16xi32>
          %gt3A_276 = arith.cmpf ogt, %select_n3A_274, %select_n3A_251 : vector<16xf32>
          %select_n3A_277 = arith.select %gt3A_276, %select_n3A_274, %select_n3A_251 : vector<16xi1>, vector<16xf32>
          %select_n3A_278 = arith.select %gt3A_276, %select_n3A_275, %select_n3A_252 : vector<16xi1>, vector<16xi32>
          %select_n3A_279 = arith.select %gt3A_276, %select_n3A_251, %select_n3A_274 : vector<16xi1>, vector<16xf32>
          %select_n3A_280 = arith.select %gt3A_276, %select_n3A_252, %select_n3A_275 : vector<16xi1>, vector<16xi32>
          %gt3A_281 = arith.cmpf ogt, %select_n3A_279, %select_n3A_256 : vector<16xf32>
          %select_n3A_282 = arith.select %gt3A_281, %select_n3A_279, %select_n3A_256 : vector<16xi1>, vector<16xf32>
          %select_n3A_283 = arith.select %gt3A_281, %select_n3A_280, %select_n3A_257 : vector<16xi1>, vector<16xi32>
          %select_n3A_284 = arith.select %gt3A_281, %select_n3A_256, %select_n3A_279 : vector<16xi1>, vector<16xf32>
          %select_n3A_285 = arith.select %gt3A_281, %select_n3A_257, %select_n3A_280 : vector<16xi1>, vector<16xi32>
          %gt3A_286 = arith.cmpf ogt, %select_n3A_284, %select_n3A_261 : vector<16xf32>
          %select_n3A_287 = arith.select %gt3A_286, %select_n3A_284, %select_n3A_261 : vector<16xi1>, vector<16xf32>
          %select_n3A_288 = arith.select %gt3A_286, %select_n3A_285, %select_n3A_262 : vector<16xi1>, vector<16xi32>
          %select_n3A_289 = arith.select %gt3A_286, %select_n3A_261, %select_n3A_284 : vector<16xi1>, vector<16xf32>
          %select_n3A_290 = arith.select %gt3A_286, %select_n3A_262, %select_n3A_285 : vector<16xi1>, vector<16xi32>
          %scan3A_291 = arith.constant 6 : i32
          %scan3A_292 = arith.addi %scan3A_130, %scan3A_291 : i32
          %get3A_293 = arith.index_cast %scan3A_292 : i32 to index
          %get3A_294 = arith.index_cast %mul3A_48 : i32 to index
          %get3A_295 = tpu.vector_load %arg11[%get3A_293, %get3A_294] {strides = array<i32>} : memref<64x128xf32, #tpu.memory_space<vmem>>, vector<16xf32>,
          %broadcast_in_dim3A_296 = vector.broadcast %scan3A_292 : i32 to vector<16xi32>
          %gt3A_297 = arith.cmpf ogt, %get3A_295, %select_n3A_272 : vector<16xf32>
          %select_n3A_298 = arith.select %gt3A_297, %get3A_295, %select_n3A_272 : vector<16xi1>, vector<16xf32>
          %select_n3A_299 = arith.select %gt3A_297, %broadcast_in_dim3A_296, %select_n3A_273 : vector<16xi1>, vector<16xi32>
          %select_n3A_300 = arith.select %gt3A_297, %select_n3A_272, %get3A_295 : vector<16xi1>, vector<16xf32>
          %select_n3A_301 = arith.select %gt3A_297, %select_n3A_273, %broadcast_in_dim3A_296 : vector<16xi1>, vector<16xi32>
          %gt3A_302 = arith.cmpf ogt, %select_n3A_300, %select_n3A_277 : vector<16xf32>
          %select_n3A_303 = arith.select %gt3A_302, %select_n3A_300, %select_n3A_277 : vector<16xi1>, vector<16xf32>
          %select_n3A_304 = arith.select %gt3A_302, %select_n3A_301, %select_n3A_278 : vector<16xi1>, vector<16xi32>
          %select_n3A_305 = arith.select %gt3A_302, %select_n3A_277, %select_n3A_300 : vector<16xi1>, vector<16xf32>
          %select_n3A_306 = arith.select %gt3A_302, %select_n3A_278, %select_n3A_301 : vector<16xi1>, vector<16xi32>
          %gt3A_307 = arith.cmpf ogt, %select_n3A_305, %select_n3A_282 : vector<16xf32>
          %select_n3A_308 = arith.select %gt3A_307, %select_n3A_305, %select_n3A_282 : vector<16xi1>, vector<16xf32>
          %select_n3A_309 = arith.select %gt3A_307, %select_n3A_306, %select_n3A_283 : vector<16xi1>, vector<16xi32>
          %select_n3A_310 = arith.select %gt3A_307, %select_n3A_282, %select_n3A_305 : vector<16xi1>, vector<16xf32>
          %select_n3A_311 = arith.select %gt3A_307, %select_n3A_283, %select_n3A_306 : vector<16xi1>, vector<16xi32>
          %gt3A_312 = arith.cmpf ogt, %select_n3A_310, %select_n3A_287 : vector<16xf32>
          %select_n3A_313 = arith.select %gt3A_312, %select_n3A_310, %select_n3A_287 : vector<16xi1>, vector<16xf32>
          %select_n3A_314 = arith.select %gt3A_312, %select_n3A_311, %select_n3A_288 : vector<16xi1>, vector<16xi32>
          %select_n3A_315 = arith.select %gt3A_312, %select_n3A_287, %select_n3A_310 : vector<16xi1>, vector<16xf32>
          %select_n3A_316 = arith.select %gt3A_312, %select_n3A_288, %select_n3A_311 : vector<16xi1>, vector<16xi32>
          %scan3A_317 = arith.constant 7 : i32
          %scan3A_318 = arith.addi %scan3A_130, %scan3A_317 : i32
          %get3A_319 = arith.index_cast %scan3A_318 : i32 to index
          %get3A_320 = arith.index_cast %mul3A_48 : i32 to index
          %get3A_321 = tpu.vector_load %arg11[%get3A_319, %get3A_320] {strides = array<i32>} : memref<64x128xf32, #tpu.memory_space<vmem>>, vector<16xf32>,
          %broadcast_in_dim3A_322 = vector.broadcast %scan3A_318 : i32 to vector<16xi32>
          %gt3A_323 = arith.cmpf ogt, %get3A_321, %select_n3A_298 : vector<16xf32>
          %select_n3A_324 = arith.select %gt3A_323, %get3A_321, %select_n3A_298 : vector<16xi1>, vector<16xf32>
          %select_n3A_325 = arith.select %gt3A_323, %broadcast_in_dim3A_322, %select_n3A_299 : vector<16xi1>, vector<16xi32>
          %select_n3A_326 = arith.select %gt3A_323, %select_n3A_298, %get3A_321 : vector<16xi1>, vector<16xf32>
          %select_n3A_327 = arith.select %gt3A_323, %select_n3A_299, %broadcast_in_dim3A_322 : vector<16xi1>, vector<16xi32>
          %gt3A_328 = arith.cmpf ogt, %select_n3A_326, %select_n3A_303 : vector<16xf32>
          %select_n3A_329 = arith.select %gt3A_328, %select_n3A_326, %select_n3A_303 : vector<16xi1>, vector<16xf32>
          %select_n3A_330 = arith.select %gt3A_328, %select_n3A_327, %select_n3A_304 : vector<16xi1>, vector<16xi32>
          %select_n3A_331 = arith.select %gt3A_328, %select_n3A_303, %select_n3A_326 : vector<16xi1>, vector<16xf32>
          %select_n3A_332 = arith.select %gt3A_328, %select_n3A_304, %select_n3A_327 : vector<16xi1>, vector<16xi32>
          %gt3A_333 = arith.cmpf ogt, %select_n3A_331, %select_n3A_308 : vector<16xf32>
          %select_n3A_334 = arith.select %gt3A_333, %select_n3A_331, %select_n3A_308 : vector<16xi1>, vector<16xf32>
          %select_n3A_335 = arith.select %gt3A_333, %select_n3A_332, %select_n3A_309 : vector<16xi1>, vector<16xi32>
          %select_n3A_336 = arith.select %gt3A_333, %select_n3A_308, %select_n3A_331 : vector<16xi1>, vector<16xf32>
          %select_n3A_337 = arith.select %gt3A_333, %select_n3A_309, %select_n3A_332 : vector<16xi1>, vector<16xi32>
          %gt3A_338 = arith.cmpf ogt, %select_n3A_336, %select_n3A_313 : vector<16xf32>
          %select_n3A_339 = arith.select %gt3A_338, %select_n3A_336, %select_n3A_313 : vector<16xi1>, vector<16xf32>
          %select_n3A_340 = arith.select %gt3A_338, %select_n3A_337, %select_n3A_314 : vector<16xi1>, vector<16xi32>
          %select_n3A_341 = arith.select %gt3A_338, %select_n3A_313, %select_n3A_336 : vector<16xi1>, vector<16xf32>
          %select_n3A_342 = arith.select %gt3A_338, %select_n3A_314, %select_n3A_337 : vector<16xi1>, vector<16xi32>
          scf.yield %select_n3A_324, %select_n3A_329, %select_n3A_334, %select_n3A_339, %select_n3A_325, %select_n3A_330, %select_n3A_335, %select_n3A_340 : vector<16xf32>, vector<16xf32>, vector<16xf32>, vector<16xf32>, vector<16xi32>, vector<16xi32>, vector<16xi32>, vector<16xi32>
        }
        %scan3A_76 = arith.constant 64 : i32
        %sub3A = arith.subf %scan3A_75#0, %scan3A_75#0 : vector<16xf32>
        %exp3A = math.exp %sub3A : vector<16xf32>
        %sub3A_77 = arith.subf %scan3A_75#1, %scan3A_75#0 : vector<16xf32>
        %exp3A_78 = math.exp %sub3A_77 : vector<16xf32>
        %sub3A_79 = arith.subf %scan3A_75#2, %scan3A_75#0 : vector<16xf32>
        %exp3A_80 = math.exp %sub3A_79 : vector<16xf32>
        %sub3A_81 = arith.subf %scan3A_75#3, %scan3A_75#0 : vector<16xf32>
        %exp3A_82 = math.exp %sub3A_81 : vector<16xf32>
        %add3A_83 = arith.addf %exp3A, %exp3A_78 : vector<16xf32>
        %add3A_84 = arith.addf %add3A_83, %exp3A_80 : vector<16xf32>
        %add3A_85 = arith.addf %add3A_84, %exp3A_82 : vector<16xf32>
        %div3A = arith.divf %exp3A, %add3A_85 : vector<16xf32>
        %div3A_86 = arith.divf %exp3A_78, %add3A_85 : vector<16xf32>
        %div3A_87 = arith.divf %exp3A_80, %add3A_85 : vector<16xf32>
        %div3A_88 = arith.divf %exp3A_82, %add3A_85 : vector<16xf32>
        %mul3A_89 = arith.constant 4 : i32
        %mul3A_90 = vector.broadcast %mul3A_89 : i32 to vector<16xi32>
        %mul3A_91 = arith.muli %add3A_54, %mul3A_90 : vector<16xi32>
        %gather3A = tpu.vector_load_idx %arg15[%scan3A_75#4] : memref<64xf32, #tpu.memory_space<vmem>>[vector<16xi32>], vector<16xf32>,
        %gather3A_92 = tpu.vector_load_idx %arg13[%get3A_52, %scan3A_75#4] : memref<8x64xf32, #tpu.memory_space<vmem>>[vector<16xi32>, vector<16xi32>], vector<16xf32>,
        %gather3A_93 = tpu.vector_load_idx %arg14[%get3A_52, %scan3A_75#4] : memref<8x64xf32, #tpu.memory_space<vmem>>[vector<16xi32>, vector<16xi32>], vector<16xf32>,
        %mul3A_94 = arith.mulf %div3A, %gather3A : vector<16xf32>
        %mul3A_95 = arith.mulf %mul3A_94, %gather3A_92 : vector<16xf32>
        %mul3A_96 = arith.mulf %mul3A_94, %gather3A_93 : vector<16xf32>
        tpu.vector_store_idx %arg19[%scan3A_75#4], %div3A {add = true} : memref<128xf32, #tpu.memory_space<vmem>>[vector<16xi32>], vector<16xf32>,
        %add3A_97 = arith.constant 0 : i32
        %add3A_98 = vector.broadcast %add3A_97 : i32 to vector<16xi32>
        %add3A_99 = arith.addi %mul3A_91, %add3A_98 : vector<16xi32>
        tpu.vector_store_idx %arg18[%add3A_99], %div3A : memref<512xf32, #tpu.memory_space<vmem>>[vector<16xi32>], vector<16xf32>,
        %gather3A_100 = tpu.vector_load_idx %arg15[%scan3A_75#5] : memref<64xf32, #tpu.memory_space<vmem>>[vector<16xi32>], vector<16xf32>,
        %gather3A_101 = tpu.vector_load_idx %arg13[%get3A_52, %scan3A_75#5] : memref<8x64xf32, #tpu.memory_space<vmem>>[vector<16xi32>, vector<16xi32>], vector<16xf32>,
        %gather3A_102 = tpu.vector_load_idx %arg14[%get3A_52, %scan3A_75#5] : memref<8x64xf32, #tpu.memory_space<vmem>>[vector<16xi32>, vector<16xi32>], vector<16xf32>,
        %mul3A_103 = arith.mulf %div3A_86, %gather3A_100 : vector<16xf32>
        %mul3A_104 = arith.mulf %mul3A_103, %gather3A_101 : vector<16xf32>
        %mul3A_105 = arith.mulf %mul3A_103, %gather3A_102 : vector<16xf32>
        tpu.vector_store_idx %arg19[%scan3A_75#5], %div3A_86 {add = true} : memref<128xf32, #tpu.memory_space<vmem>>[vector<16xi32>], vector<16xf32>,
        %add3A_106 = arith.constant 1 : i32
        %add3A_107 = vector.broadcast %add3A_106 : i32 to vector<16xi32>
        %add3A_108 = arith.addi %mul3A_91, %add3A_107 : vector<16xi32>
        tpu.vector_store_idx %arg18[%add3A_108], %div3A_86 : memref<512xf32, #tpu.memory_space<vmem>>[vector<16xi32>], vector<16xf32>,
        %gather3A_109 = tpu.vector_load_idx %arg15[%scan3A_75#6] : memref<64xf32, #tpu.memory_space<vmem>>[vector<16xi32>], vector<16xf32>,
        %gather3A_110 = tpu.vector_load_idx %arg13[%get3A_52, %scan3A_75#6] : memref<8x64xf32, #tpu.memory_space<vmem>>[vector<16xi32>, vector<16xi32>], vector<16xf32>,
        %gather3A_111 = tpu.vector_load_idx %arg14[%get3A_52, %scan3A_75#6] : memref<8x64xf32, #tpu.memory_space<vmem>>[vector<16xi32>, vector<16xi32>], vector<16xf32>,
        %mul3A_112 = arith.mulf %div3A_87, %gather3A_109 : vector<16xf32>
        %mul3A_113 = arith.mulf %mul3A_112, %gather3A_110 : vector<16xf32>
        %mul3A_114 = arith.mulf %mul3A_112, %gather3A_111 : vector<16xf32>
        tpu.vector_store_idx %arg19[%scan3A_75#6], %div3A_87 {add = true} : memref<128xf32, #tpu.memory_space<vmem>>[vector<16xi32>], vector<16xf32>,
        %add3A_115 = arith.constant 2 : i32
        %add3A_116 = vector.broadcast %add3A_115 : i32 to vector<16xi32>
        %add3A_117 = arith.addi %mul3A_91, %add3A_116 : vector<16xi32>
        tpu.vector_store_idx %arg18[%add3A_117], %div3A_87 : memref<512xf32, #tpu.memory_space<vmem>>[vector<16xi32>], vector<16xf32>,
        %gather3A_118 = tpu.vector_load_idx %arg15[%scan3A_75#7] : memref<64xf32, #tpu.memory_space<vmem>>[vector<16xi32>], vector<16xf32>,
        %gather3A_119 = tpu.vector_load_idx %arg13[%get3A_52, %scan3A_75#7] : memref<8x64xf32, #tpu.memory_space<vmem>>[vector<16xi32>, vector<16xi32>], vector<16xf32>,
        %gather3A_120 = tpu.vector_load_idx %arg14[%get3A_52, %scan3A_75#7] : memref<8x64xf32, #tpu.memory_space<vmem>>[vector<16xi32>, vector<16xi32>], vector<16xf32>,
        %mul3A_121 = arith.mulf %div3A_88, %gather3A_118 : vector<16xf32>
        %mul3A_122 = arith.mulf %mul3A_121, %gather3A_119 : vector<16xf32>
        %mul3A_123 = arith.mulf %mul3A_121, %gather3A_120 : vector<16xf32>
        tpu.vector_store_idx %arg19[%scan3A_75#7], %div3A_88 {add = true} : memref<128xf32, #tpu.memory_space<vmem>>[vector<16xi32>], vector<16xf32>,
        %add3A_124 = arith.constant 3 : i32
        %add3A_125 = vector.broadcast %add3A_124 : i32 to vector<16xi32>
        %add3A_126 = arith.addi %mul3A_91, %add3A_125 : vector<16xi32>
        tpu.vector_store_idx %arg18[%add3A_126], %div3A_88 : memref<512xf32, #tpu.memory_space<vmem>>[vector<16xi32>], vector<16xf32>,
        %parallel_loop3A = arith.constant 0 : i32
        %parallel_loop3A_127 = arith.constant 64 : i32
        %parallel_loop3A_128 = arith.constant 1 : i32
        scf.for %parallel_loop3A_130 = %parallel_loop3A to %parallel_loop3A_127 step %parallel_loop3A_128  : i32 {
          %parallel_loop3A_131 = arith.constant 2 : i32
          %parallel_loop3A_132 = arith.muli %parallel_loop3A_131, %parallel_loop3A_130 : i32
          %parallel_loop3A_133 = arith.constant 64 : i32
          %parallel_loop3A_134 = arith.muli %parallel_loop3A_132, %parallel_loop3A_133 : i32
          %parallel_loop3A_135 = vector.broadcast %parallel_loop3A_134 : i32 to vector<16xi32>
          %parallel_loop3A_136 = arith.addi %scan3A_75#4, %parallel_loop3A_135 : vector<16xi32>
          %parallel_loop3A_137 = tpu.vector_load_idx %arg12[%parallel_loop3A_136] : memref<8192xf32, #tpu.memory_space<vmem>>[vector<16xi32>], vector<16xf32>,
          %parallel_loop3A_138 = arith.constant 1 : i32
          %parallel_loop3A_139 = arith.addi %parallel_loop3A_132, %parallel_loop3A_138 : i32
          %parallel_loop3A_140 = arith.constant 64 : i32
          %parallel_loop3A_141 = arith.muli %parallel_loop3A_139, %parallel_loop3A_140 : i32
          %parallel_loop3A_142 = vector.broadcast %parallel_loop3A_141 : i32 to vector<16xi32>
          %parallel_loop3A_143 = arith.addi %scan3A_75#4, %parallel_loop3A_142 : vector<16xi32>
          %parallel_loop3A_144 = tpu.vector_load_idx %arg12[%parallel_loop3A_143] : memref<8192xf32, #tpu.memory_space<vmem>>[vector<16xi32>], vector<16xf32>,
          %parallel_loop3A_145 = arith.mulf %parallel_loop3A_137, %mul3A_95 : vector<16xf32>
          %parallel_loop3A_146 = arith.mulf %parallel_loop3A_144, %mul3A_96 : vector<16xf32>
          %parallel_loop3A_147 = arith.subf %parallel_loop3A_145, %parallel_loop3A_146 : vector<16xf32>
          %parallel_loop3A_148 = arith.addf %broadcast_in_dim3A_3, %parallel_loop3A_147 : vector<16xf32>
          %parallel_loop3A_149 = arith.mulf %parallel_loop3A_137, %mul3A_96 : vector<16xf32>
          %parallel_loop3A_150 = arith.mulf %parallel_loop3A_144, %mul3A_95 : vector<16xf32>
          %parallel_loop3A_151 = arith.addf %parallel_loop3A_149, %parallel_loop3A_150 : vector<16xf32>
          %parallel_loop3A_152 = arith.addf %broadcast_in_dim3A_3, %parallel_loop3A_151 : vector<16xf32>
          %parallel_loop3A_153 = arith.constant 64 : i32
          %parallel_loop3A_154 = arith.muli %parallel_loop3A_132, %parallel_loop3A_153 : i32
          %parallel_loop3A_155 = vector.broadcast %parallel_loop3A_154 : i32 to vector<16xi32>
          %parallel_loop3A_156 = arith.addi %scan3A_75#5, %parallel_loop3A_155 : vector<16xi32>
          %parallel_loop3A_157 = tpu.vector_load_idx %arg12[%parallel_loop3A_156] : memref<8192xf32, #tpu.memory_space<vmem>>[vector<16xi32>], vector<16xf32>,
          %parallel_loop3A_158 = arith.constant 1 : i32
          %parallel_loop3A_159 = arith.addi %parallel_loop3A_132, %parallel_loop3A_158 : i32
          %parallel_loop3A_160 = arith.constant 64 : i32
          %parallel_loop3A_161 = arith.muli %parallel_loop3A_159, %parallel_loop3A_160 : i32
          %parallel_loop3A_162 = vector.broadcast %parallel_loop3A_161 : i32 to vector<16xi32>
          %parallel_loop3A_163 = arith.addi %scan3A_75#5, %parallel_loop3A_162 : vector<16xi32>
          %parallel_loop3A_164 = tpu.vector_load_idx %arg12[%parallel_loop3A_163] : memref<8192xf32, #tpu.memory_space<vmem>>[vector<16xi32>], vector<16xf32>,
          %parallel_loop3A_165 = arith.mulf %parallel_loop3A_157, %mul3A_104 : vector<16xf32>
          %parallel_loop3A_166 = arith.mulf %parallel_loop3A_164, %mul3A_105 : vector<16xf32>
          %parallel_loop3A_167 = arith.subf %parallel_loop3A_165, %parallel_loop3A_166 : vector<16xf32>
          %parallel_loop3A_168 = arith.addf %parallel_loop3A_148, %parallel_loop3A_167 : vector<16xf32>
          %parallel_loop3A_169 = arith.mulf %parallel_loop3A_157, %mul3A_105 : vector<16xf32>
          %parallel_loop3A_170 = arith.mulf %parallel_loop3A_164, %mul3A_104 : vector<16xf32>
          %parallel_loop3A_171 = arith.addf %parallel_loop3A_169, %parallel_loop3A_170 : vector<16xf32>
          %parallel_loop3A_172 = arith.addf %parallel_loop3A_152, %parallel_loop3A_171 : vector<16xf32>
          %parallel_loop3A_173 = arith.constant 64 : i32
          %parallel_loop3A_174 = arith.muli %parallel_loop3A_132, %parallel_loop3A_173 : i32
          %parallel_loop3A_175 = vector.broadcast %parallel_loop3A_174 : i32 to vector<16xi32>
          %parallel_loop3A_176 = arith.addi %scan3A_75#6, %parallel_loop3A_175 : vector<16xi32>
          %parallel_loop3A_177 = tpu.vector_load_idx %arg12[%parallel_loop3A_176] : memref<8192xf32, #tpu.memory_space<vmem>>[vector<16xi32>], vector<16xf32>,
          %parallel_loop3A_178 = arith.constant 1 : i32
          %parallel_loop3A_179 = arith.addi %parallel_loop3A_132, %parallel_loop3A_178 : i32
          %parallel_loop3A_180 = arith.constant 64 : i32
          %parallel_loop3A_181 = arith.muli %parallel_loop3A_179, %parallel_loop3A_180 : i32
          %parallel_loop3A_182 = vector.broadcast %parallel_loop3A_181 : i32 to vector<16xi32>
          %parallel_loop3A_183 = arith.addi %scan3A_75#6, %parallel_loop3A_182 : vector<16xi32>
          %parallel_loop3A_184 = tpu.vector_load_idx %arg12[%parallel_loop3A_183] : memref<8192xf32, #tpu.memory_space<vmem>>[vector<16xi32>], vector<16xf32>,
          %parallel_loop3A_185 = arith.mulf %parallel_loop3A_177, %mul3A_113 : vector<16xf32>
          %parallel_loop3A_186 = arith.mulf %parallel_loop3A_184, %mul3A_114 : vector<16xf32>
          %parallel_loop3A_187 = arith.subf %parallel_loop3A_185, %parallel_loop3A_186 : vector<16xf32>
          %parallel_loop3A_188 = arith.addf %parallel_loop3A_168, %parallel_loop3A_187 : vector<16xf32>
          %parallel_loop3A_189 = arith.mulf %parallel_loop3A_177, %mul3A_114 : vector<16xf32>
          %parallel_loop3A_190 = arith.mulf %parallel_loop3A_184, %mul3A_113 : vector<16xf32>
          %parallel_loop3A_191 = arith.addf %parallel_loop3A_189, %parallel_loop3A_190 : vector<16xf32>
          %parallel_loop3A_192 = arith.addf %parallel_loop3A_172, %parallel_loop3A_191 : vector<16xf32>
          %parallel_loop3A_193 = arith.constant 64 : i32
          %parallel_loop3A_194 = arith.muli %parallel_loop3A_132, %parallel_loop3A_193 : i32
          %parallel_loop3A_195 = vector.broadcast %parallel_loop3A_194 : i32 to vector<16xi32>
          %parallel_loop3A_196 = arith.addi %scan3A_75#7, %parallel_loop3A_195 : vector<16xi32>
          %parallel_loop3A_197 = tpu.vector_load_idx %arg12[%parallel_loop3A_196] : memref<8192xf32, #tpu.memory_space<vmem>>[vector<16xi32>], vector<16xf32>,
          %parallel_loop3A_198 = arith.constant 1 : i32
          %parallel_loop3A_199 = arith.addi %parallel_loop3A_132, %parallel_loop3A_198 : i32
          %parallel_loop3A_200 = arith.constant 64 : i32
          %parallel_loop3A_201 = arith.muli %parallel_loop3A_199, %parallel_loop3A_200 : i32
          %parallel_loop3A_202 = vector.broadcast %parallel_loop3A_201 : i32 to vector<16xi32>
          %parallel_loop3A_203 = arith.addi %scan3A_75#7, %parallel_loop3A_202 : vector<16xi32>
          %parallel_loop3A_204 = tpu.vector_load_idx %arg12[%parallel_loop3A_203] : memref<8192xf32, #tpu.memory_space<vmem>>[vector<16xi32>], vector<16xf32>,
          %parallel_loop3A_205 = arith.mulf %parallel_loop3A_197, %mul3A_122 : vector<16xf32>
          %parallel_loop3A_206 = arith.mulf %parallel_loop3A_204, %mul3A_123 : vector<16xf32>
          %parallel_loop3A_207 = arith.subf %parallel_loop3A_205, %parallel_loop3A_206 : vector<16xf32>
          %parallel_loop3A_208 = arith.addf %parallel_loop3A_188, %parallel_loop3A_207 : vector<16xf32>
          %parallel_loop3A_209 = arith.mulf %parallel_loop3A_197, %mul3A_123 : vector<16xf32>
          %parallel_loop3A_210 = arith.mulf %parallel_loop3A_204, %mul3A_122 : vector<16xf32>
          %parallel_loop3A_211 = arith.addf %parallel_loop3A_209, %parallel_loop3A_210 : vector<16xf32>
          %parallel_loop3A_212 = arith.addf %parallel_loop3A_192, %parallel_loop3A_211 : vector<16xf32>
          %parallel_loop3A_213 = vector.broadcast %parallel_loop3A_132 : i32 to vector<16xi32>
          tpu.vector_store_idx %arg17[%parallel_loop3A_213, %add3A_54], %parallel_loop3A_208 : memref<128x128xf32, #tpu.memory_space<vmem>>[vector<16xi32>, vector<16xi32>], vector<16xf32>,
          %parallel_loop3A_214 = arith.constant 1 : i32
          %parallel_loop3A_215 = arith.addi %parallel_loop3A_132, %parallel_loop3A_214 : i32
          %parallel_loop3A_216 = vector.broadcast %parallel_loop3A_215 : i32 to vector<16xi32>
          tpu.vector_store_idx %arg17[%parallel_loop3A_216, %add3A_54], %parallel_loop3A_212 : memref<128x128xf32, #tpu.memory_space<vmem>>[vector<16xi32>, vector<16xi32>], vector<16xf32>,
        } {sc.loop_unroll_factor = 8 : i64, sc.parallel_access}
        %scan3A_129 = arith.constant 0 : i32
        scf.yield %scan3A_129 : i32
      }
      %scan3A_40 = arith.constant 8 : i32
      "tpu.region"() ({
        %run_scoped3A = tpu.sem_alloc : memref<!tpu.dma_semaphore, #tpu.memory_space<semaphore_mem>>
        %dma_start3A = arith.constant 0 : i32
        %dma_start3A_45 = tpu.memref_slice %arg8[%dma_start3A, %multiple_of3A_33] : memref<128x16384xf32, #tpu.memory_space<hbm>> -> memref<128x128xf32, #tpu.memory_space<hbm>>
        %dma_start3A_46 = arith.constant 0 : i32
        %dma_start3A_47 = tpu.memref_slice %arg8[%dma_start3A_46, %multiple_of3A_33] : memref<128x16384xf32, #tpu.memory_space<hbm>> -> memref<128x128xf32, #tpu.memory_space<hbm>>
        tpu.enqueue_dma source(%arg17 : memref<128x128xf32, #tpu.memory_space<vmem>>) target(%dma_start3A_47 : memref<128x128xf32, #tpu.memory_space<hbm>>) target_semaphore(%run_scoped3A : memref<!tpu.dma_semaphore, #tpu.memory_space<semaphore_mem>>)
        %dma_wait3A = arith.constant 0 : i32
        %dma_wait3A_48 = tpu.memref_slice %arg8[%dma_wait3A, %multiple_of3A_33] : memref<128x16384xf32, #tpu.memory_space<hbm>> -> memref<128x128xf32, #tpu.memory_space<hbm>>
        %dma_wait3A_49 = arith.constant 0 : i32
        %dma_wait3A_50 = tpu.memref_slice %arg8[%dma_wait3A_49, %multiple_of3A_33] : memref<128x16384xf32, #tpu.memory_space<hbm>> -> memref<128x128xf32, #tpu.memory_space<hbm>>
        tpu.wait_dma2 semaphore(%run_scoped3A : memref<!tpu.dma_semaphore, #tpu.memory_space<semaphore_mem>>) src(%arg17 : memref<128x128xf32, #tpu.memory_space<vmem>>) dst(%dma_wait3A_50 : memref<128x128xf32, #tpu.memory_space<hbm>>)
        tpu.yield
      }) : () -> ()
      %mul3A_41 = arith.constant 4 : i32
      %mul3A_42 = arith.muli %multiple_of3A_33, %mul3A_41 : i32
      %multiple_of3A_43 = tpu.assume_multiple %mul3A_42, 128 : i32
      "tpu.region"() ({
        %run_scoped3A = tpu.sem_alloc : memref<!tpu.dma_semaphore, #tpu.memory_space<semaphore_mem>>
        %dma_start3A = tpu.memref_slice %arg9[%multiple_of3A_43] : memref<65536xf32, #tpu.memory_space<hbm>> -> memref<512xf32, #tpu.memory_space<hbm>>
        %dma_start3A_45 = tpu.memref_slice %arg9[%multiple_of3A_43] : memref<65536xf32, #tpu.memory_space<hbm>> -> memref<512xf32, #tpu.memory_space<hbm>>
        tpu.enqueue_dma source(%arg18 : memref<512xf32, #tpu.memory_space<vmem>>) target(%dma_start3A_45 : memref<512xf32, #tpu.memory_space<hbm>>) target_semaphore(%run_scoped3A : memref<!tpu.dma_semaphore, #tpu.memory_space<semaphore_mem>>)
        %dma_wait3A = tpu.memref_slice %arg9[%multiple_of3A_43] : memref<65536xf32, #tpu.memory_space<hbm>> -> memref<512xf32, #tpu.memory_space<hbm>>
        %dma_wait3A_46 = tpu.memref_slice %arg9[%multiple_of3A_43] : memref<65536xf32, #tpu.memory_space<hbm>> -> memref<512xf32, #tpu.memory_space<hbm>>
        tpu.wait_dma2 semaphore(%run_scoped3A : memref<!tpu.dma_semaphore, #tpu.memory_space<semaphore_mem>>) src(%arg18 : memref<512xf32, #tpu.memory_space<vmem>>) dst(%dma_wait3A_46 : memref<512xf32, #tpu.memory_space<hbm>>)
        tpu.yield
      }) : () -> ()
      %scan3A_44 = arith.constant 0 : i32
      scf.yield %scan3A_44 : i32
    }
    %scan3A_24 = arith.constant 4 : i32
    %mul3A_25 = arith.constant 128 : i32
    %mul3A_26 = arith.muli %add3A, %mul3A_25 : i32
    %multiple_of3A_27 = tpu.assume_multiple %mul3A_26, 128 : i32
    "tpu.region"() ({
      %run_scoped3A = tpu.sem_alloc : memref<!tpu.dma_semaphore, #tpu.memory_space<semaphore_mem>>
      %dma_start3A = tpu.memref_slice %arg10[%multiple_of3A_27] : memref<4096xf32, #tpu.memory_space<hbm>> -> memref<128xf32, #tpu.memory_space<hbm>>
      %dma_start3A_28 = tpu.memref_slice %arg10[%multiple_of3A_27] : memref<4096xf32, #tpu.memory_space<hbm>> -> memref<128xf32, #tpu.memory_space<hbm>>
      tpu.enqueue_dma source(%arg19 : memref<128xf32, #tpu.memory_space<vmem>>) target(%dma_start3A_28 : memref<128xf32, #tpu.memory_space<hbm>>) target_semaphore(%run_scoped3A : memref<!tpu.dma_semaphore, #tpu.memory_space<semaphore_mem>>)
      %dma_wait3A = tpu.memref_slice %arg10[%multiple_of3A_27] : memref<4096xf32, #tpu.memory_space<hbm>> -> memref<128xf32, #tpu.memory_space<hbm>>
      %dma_wait3A_29 = tpu.memref_slice %arg10[%multiple_of3A_27] : memref<4096xf32, #tpu.memory_space<hbm>> -> memref<128xf32, #tpu.memory_space<hbm>>
      tpu.wait_dma2 semaphore(%run_scoped3A : memref<!tpu.dma_semaphore, #tpu.memory_space<semaphore_mem>>) src(%arg19 : memref<128xf32, #tpu.memory_space<vmem>>) dst(%dma_wait3A_29 : memref<128xf32, #tpu.memory_space<hbm>>)
      tpu.yield
    }) : () -> ()
    return
  }
}

module attributes {stable_mosaic.version = 14 : i64} {
  func.func @_enc_body(%arg0: i32, %arg1: memref<4096x1xi32, #tpu.memory_space<vmem>>, %arg2: memref<4096x1xi32, #tpu.memory_space<vmem>>, %arg3: memref<4096x1xi32, #tpu.memory_space<vmem>>, %arg4: memref<4096x1xi32, #tpu.memory_space<vmem>>, %arg5: memref<8x32xf32, #tpu.memory_space<vmem>>, %arg6: memref<49x128xf32, #tpu.memory_space<vmem>>, %arg7: memref<128x1xf32, #tpu.memory_space<vmem>>, %arg8: memref<64x128xf32, #tpu.memory_space<vmem>>, %arg9: memref<1x64xf32, #tpu.memory_space<vmem>>, %arg10: memref<1x64xf32, #tpu.memory_space<vmem>>, %arg11: memref<1x64xf32, #tpu.memory_space<vmem>>, %arg12: memref<128x4096xf32, #tpu.memory_space<vmem>>, %arg13: memref<64x4096xf32, #tpu.memory_space<vmem>>, %arg14: memref<64x1xf32, #tpu.memory_space<vmem>>, %arg15: memref<1x64xf32, #tpu.memory_space<vmem>>, %arg16: memref<8x64xf32, #tpu.memory_space<vmem>>, %arg17: memref<8x64xf32, #tpu.memory_space<vmem>>) attributes {dimension_semantics = [#tpu.dimension_semantics<arbitrary>], iteration_bounds = array<i64: 4>, scalar_prefetch = 0 : i64, scratch_operands = 0 : i64, tpu.core_type = #tpu.core_type<tc>, window_params = [{transform_indices = @transform_0, window_bounds = array<i64: 4096, 1>}, {transform_indices = @transform_1, window_bounds = array<i64: 4096, 1>}, {transform_indices = @transform_2, window_bounds = array<i64: 4096, 1>}, {transform_indices = @transform_3, window_bounds = array<i64: 4096, 1>}, {pipeline_mode = #tpu.pipeline_mode<synchronous>, transform_indices = @transform_4, window_bounds = array<i64: 8, 32>}, {pipeline_mode = #tpu.pipeline_mode<synchronous>, transform_indices = @transform_5, window_bounds = array<i64: 49, 128>}, {pipeline_mode = #tpu.pipeline_mode<synchronous>, transform_indices = @transform_6, window_bounds = array<i64: 128, 1>}, {pipeline_mode = #tpu.pipeline_mode<synchronous>, transform_indices = @transform_7, window_bounds = array<i64: 64, 128>}, {pipeline_mode = #tpu.pipeline_mode<synchronous>, transform_indices = @transform_8, window_bounds = array<i64: 1, 64>}, {pipeline_mode = #tpu.pipeline_mode<synchronous>, transform_indices = @transform_9, window_bounds = array<i64: 1, 64>}, {pipeline_mode = #tpu.pipeline_mode<synchronous>, transform_indices = @transform_10, window_bounds = array<i64: 1, 64>}, {transform_indices = @transform_11, window_bounds = array<i64: 128, 4096>}, {transform_indices = @transform_12, window_bounds = array<i64: 64, 4096>}, {pipeline_mode = #tpu.pipeline_mode<synchronous>, transform_indices = @transform_13, window_bounds = array<i64: 64, 1>}, {pipeline_mode = #tpu.pipeline_mode<synchronous>, transform_indices = @transform_14, window_bounds = array<i64: 1, 64>}, {pipeline_mode = #tpu.pipeline_mode<synchronous>, transform_indices = @transform_15, window_bounds = array<i64: 8, 64>}, {pipeline_mode = #tpu.pipeline_mode<synchronous>, transform_indices = @transform_16, window_bounds = array<i64: 8, 64>}]} {
    %eq3A = arith.constant 0 : i32
    %eq3A_0 = arith.cmpi eq, %arg0, %eq3A : i32
    %convert_element_type3A = arith.extui %eq3A_0 : i1 to i32
    %cond3A = arith.constant 0 : i32
    %cond3A_1 = arith.cmpi ne, %convert_element_type3A, %cond3A : i32
    scf.if %cond3A_1 {
      %broadcast_in_dim3A_98 = arith.constant 0.000000e+00 : f32
      %broadcast_in_dim3A_99 = vector.broadcast %broadcast_in_dim3A_98 : f32 to vector<64x1xf32>
      %swap3A_100 = arith.constant 0 : index
      %swap3A_101 = arith.constant 0 : index
      %swap3A_102 = vector.load %arg14[%swap3A_100, %swap3A_101] : memref<64x1xf32, #tpu.memory_space<vmem>>, vector<64x1xf32>
      tpu.vector_store %arg14[%swap3A_100, %swap3A_101], %broadcast_in_dim3A_99 {strides = array<i32>} : memref<64x1xf32, #tpu.memory_space<vmem>>, vector<64x1xf32>,
      %iota3A_103 = tpu.iota {dimensions = array<i32: 0>} : vector<8x64xi32>
      %convert_element_type3A_104 = arith.sitofp %iota3A_103 : vector<8x64xi32> to vector<8x64xf32>
      %get3A_105 = arith.constant 0 : index
      %get3A_106 = arith.constant 0 : index
      %get3A_107 = vector.load %arg11[%get3A_105, %get3A_106] : memref<1x64xf32, #tpu.memory_space<vmem>>, vector<1x64xf32>
      %mul3A_108 = vector.broadcast %get3A_107 : vector<1x64xf32> to vector<8x64xf32>
      %mul3A_109 = arith.mulf %mul3A_108, %convert_element_type3A_104 : vector<8x64xf32>
      %cos3A = math.cos %mul3A_109 : vector<8x64xf32>
      %swap3A_110 = arith.constant 0 : index
      %swap3A_111 = arith.constant 0 : index
      %swap3A_112 = vector.load %arg16[%swap3A_110, %swap3A_111] : memref<8x64xf32, #tpu.memory_space<vmem>>, vector<8x64xf32>
      tpu.vector_store %arg16[%swap3A_110, %swap3A_111], %cos3A {strides = array<i32>} : memref<8x64xf32, #tpu.memory_space<vmem>>, vector<8x64xf32>,
      %get3A_113 = arith.constant 0 : index
      %get3A_114 = arith.constant 0 : index
      %get3A_115 = vector.load %arg11[%get3A_113, %get3A_114] : memref<1x64xf32, #tpu.memory_space<vmem>>, vector<1x64xf32>
      %mul3A_116 = vector.broadcast %get3A_115 : vector<1x64xf32> to vector<8x64xf32>
      %mul3A_117 = arith.mulf %mul3A_116, %convert_element_type3A_104 : vector<8x64xf32>
      %sin3A = math.sin %mul3A_117 : vector<8x64xf32>
      %swap3A_118 = arith.constant 0 : index
      %swap3A_119 = arith.constant 0 : index
      %swap3A_120 = vector.load %arg17[%swap3A_118, %swap3A_119] : memref<8x64xf32, #tpu.memory_space<vmem>>, vector<8x64xf32>
      tpu.vector_store %arg17[%swap3A_118, %swap3A_119], %sin3A {strides = array<i32>} : memref<8x64xf32, #tpu.memory_space<vmem>>, vector<8x64xf32>,
      %get3A_121 = arith.constant 0 : index
      %get3A_122 = arith.constant 0 : index
      %get3A_123 = vector.load %arg10[%get3A_121, %get3A_122] : memref<1x64xf32, #tpu.memory_space<vmem>>, vector<1x64xf32>
      %cos3A_124 = math.cos %get3A_123 : vector<1x64xf32>
      %swap3A_125 = arith.constant 0 : index
      %swap3A_126 = arith.constant 0 : index
      %swap3A_127 = vector.load %arg15[%swap3A_125, %swap3A_126] : memref<1x64xf32, #tpu.memory_space<vmem>>, vector<1x64xf32>
      tpu.vector_store %arg15[%swap3A_125, %swap3A_126], %cos3A_124 {strides = array<i32>} : memref<1x64xf32, #tpu.memory_space<vmem>>, vector<1x64xf32>,
    } else {
    }
    %get3A = arith.constant 0 : index
    %get3A_2 = arith.constant 0 : index
    %get3A_3 = vector.load %arg1[%get3A, %get3A_2] : memref<4096x1xi32, #tpu.memory_space<vmem>>, vector<4096x1xi32>
    %iota3A = tpu.iota {dimensions = array<i32: 1>} : vector<1x8xi32>
    %eq3A_4 = vector.broadcast %get3A_3 : vector<4096x1xi32> to vector<4096x8xi32>
    %eq3A_5 = vector.broadcast %iota3A : vector<1x8xi32> to vector<4096x8xi32>
    %eq3A_6 = arith.cmpi eq, %eq3A_4, %eq3A_5 : vector<4096x8xi32>
    %convert_element_type3A_7 = arith.extui %eq3A_6 : vector<4096x8xi1> to vector<4096x8xi32>
    %convert_element_type3A_8 = arith.sitofp %convert_element_type3A_7 : vector<4096x8xi32> to vector<4096x8xf32>
    %get3A_9 = arith.constant 0 : index
    %get3A_10 = arith.constant 0 : index
    %get3A_11 = vector.load %arg2[%get3A_9, %get3A_10] : memref<4096x1xi32, #tpu.memory_space<vmem>>, vector<4096x1xi32>
    %shift_right_arithmetic3A = vector.broadcast %get3A_11 : vector<4096x1xi32> to vector<4096x8xi32>
    %shift_right_arithmetic3A_12 = vector.broadcast %iota3A : vector<1x8xi32> to vector<4096x8xi32>
    %shift_right_arithmetic3A_13 = arith.shrsi %shift_right_arithmetic3A, %shift_right_arithmetic3A_12 : vector<4096x8xi32>
    %and3A = arith.constant 1 : i32
    %and3A_14 = vector.broadcast %and3A : i32 to vector<4096x8xi32>
    %and3A_15 = arith.andi %shift_right_arithmetic3A_13, %and3A_14 : vector<4096x8xi32>
    %convert_element_type3A_16 = arith.sitofp %and3A_15 : vector<4096x8xi32> to vector<4096x8xf32>
    %get3A_17 = arith.constant 0 : index
    %get3A_18 = arith.constant 0 : index
    %get3A_19 = vector.load %arg3[%get3A_17, %get3A_18] : memref<4096x1xi32, #tpu.memory_space<vmem>>, vector<4096x1xi32>
    %shift_right_arithmetic3A_20 = vector.broadcast %get3A_19 : vector<4096x1xi32> to vector<4096x8xi32>
    %shift_right_arithmetic3A_21 = vector.broadcast %iota3A : vector<1x8xi32> to vector<4096x8xi32>
    %shift_right_arithmetic3A_22 = arith.shrsi %shift_right_arithmetic3A_20, %shift_right_arithmetic3A_21 : vector<4096x8xi32>
    %and3A_23 = arith.constant 1 : i32
    %and3A_24 = vector.broadcast %and3A_23 : i32 to vector<4096x8xi32>
    %and3A_25 = arith.andi %shift_right_arithmetic3A_22, %and3A_24 : vector<4096x8xi32>
    %convert_element_type3A_26 = arith.sitofp %and3A_25 : vector<4096x8xi32> to vector<4096x8xf32>
    %get3A_27 = arith.constant 0 : index
    %get3A_28 = arith.constant 0 : index
    %get3A_29 = vector.load %arg4[%get3A_27, %get3A_28] : memref<4096x1xi32, #tpu.memory_space<vmem>>, vector<4096x1xi32>
    %convert_element_type3A_30 = arith.sitofp %get3A_29 : vector<4096x1xi32> to vector<4096x1xf32>
    %get3A_31 = arith.constant 0 : index
    %get3A_32 = arith.constant 0 : index
    %get3A_33 = vector.load %arg6[%get3A_31, %get3A_32] : memref<49x128xf32, #tpu.memory_space<vmem>>, vector<49x128xf32>
    %get3A_34 = arith.constant 0 : index
    %get3A_35 = arith.constant 0 : index
    %get3A_36 = vector.load %arg5[%get3A_34, %get3A_35] : memref<8x32xf32, #tpu.memory_space<vmem>>, vector<8x32xf32>
    %slice3A = vector.extract_strided_slice %get3A_33 {offsets = [0, 0], sizes = [32, 128], strides = [1, 1]} : vector<49x128xf32> to vector<32x128xf32>
    %dot_general3A = arith.constant dense<0.000000e+00> : vector<8x128xf32>
    %dot_general3A_37 = tpu.matmul %get3A_36, %slice3A, %dot_general3A {dimension_numbers = #tpu.dot_dimension_numbers<[1], [0], [0], [1], [0, 0, 1, 1], [], []>, transpose_lhs_hint = false} : vector<8x32xf32>, vector<32x128xf32>, vector<8x128xf32> -> vector<8x128xf32>
    %dot_general3A_38 = arith.constant dense<0.000000e+00> : vector<128x4096xf32>
    %dot_general3A_39 = tpu.matmul %dot_general3A_37, %convert_element_type3A_8, %dot_general3A_38 {dimension_numbers = #tpu.dot_dimension_numbers<[0], [1], [1], [0], [0, 1, 1, 0], [], []>, transpose_lhs_hint = false} : vector<8x128xf32>, vector<4096x8xf32>, vector<128x4096xf32> -> vector<128x4096xf32>
    %slice3A_40 = vector.extract_strided_slice %get3A_33 {offsets = [32, 0], sizes = [8, 128], strides = [1, 1]} : vector<49x128xf32> to vector<8x128xf32>
    %dot_general3A_41 = arith.constant dense<0.000000e+00> : vector<128x4096xf32>
    %dot_general3A_42 = tpu.matmul %slice3A_40, %convert_element_type3A_16, %dot_general3A_41 {dimension_numbers = #tpu.dot_dimension_numbers<[0], [1], [1], [0], [0, 1, 1, 0], [], []>, transpose_lhs_hint = false} : vector<8x128xf32>, vector<4096x8xf32>, vector<128x4096xf32> -> vector<128x4096xf32>
    %add3A = arith.addf %dot_general3A_39, %dot_general3A_42 : vector<128x4096xf32>
    %slice3A_43 = vector.extract_strided_slice %get3A_33 {offsets = [40, 0], sizes = [8, 128], strides = [1, 1]} : vector<49x128xf32> to vector<8x128xf32>
    %dot_general3A_44 = arith.constant dense<0.000000e+00> : vector<128x4096xf32>
    %dot_general3A_45 = tpu.matmul %slice3A_43, %convert_element_type3A_26, %dot_general3A_44 {dimension_numbers = #tpu.dot_dimension_numbers<[0], [1], [1], [0], [0, 1, 1, 0], [], []>, transpose_lhs_hint = false} : vector<8x128xf32>, vector<4096x8xf32>, vector<128x4096xf32> -> vector<128x4096xf32>
    %add3A_46 = arith.addf %add3A, %dot_general3A_45 : vector<128x4096xf32>
    %slice3A_47 = vector.extract_strided_slice %get3A_33 {offsets = [48, 0], sizes = [1, 128], strides = [1, 1]} : vector<49x128xf32> to vector<1x128xf32>
    %dot_general3A_48 = arith.constant dense<0.000000e+00> : vector<128x4096xf32>
    %dot_general3A_49 = tpu.matmul %slice3A_47, %convert_element_type3A_30, %dot_general3A_48 {dimension_numbers = #tpu.dot_dimension_numbers<[0], [1], [1], [0], [0, 1, 1, 0], [], []>, transpose_lhs_hint = false} : vector<1x128xf32>, vector<4096x1xf32>, vector<128x4096xf32> -> vector<128x4096xf32>
    %add3A_50 = arith.addf %add3A_46, %dot_general3A_49 : vector<128x4096xf32>
    %get3A_51 = arith.constant 0 : index
    %get3A_52 = arith.constant 0 : index
    %get3A_53 = vector.load %arg7[%get3A_51, %get3A_52] : memref<128x1xf32, #tpu.memory_space<vmem>>, vector<128x1xf32>
    %add3A_54 = vector.broadcast %get3A_53 : vector<128x1xf32> to vector<128x4096xf32>
    %add3A_55 = arith.addf %add3A_50, %add3A_54 : vector<128x4096xf32>
    %swap3A = arith.constant 0 : index
    %swap3A_56 = arith.constant 0 : index
    %swap3A_57 = vector.load %arg12[%swap3A, %swap3A_56] : memref<128x4096xf32, #tpu.memory_space<vmem>>, vector<128x4096xf32>
    tpu.vector_store %arg12[%swap3A, %swap3A_56], %add3A_55 {strides = array<i32>} : memref<128x4096xf32, #tpu.memory_space<vmem>>, vector<128x4096xf32>,
    %iota3A_58 = tpu.iota {dimensions = array<i32: 0>} : vector<8x64xi32>
    %convert_element_type3A_59 = arith.sitofp %iota3A_58 : vector<8x64xi32> to vector<8x64xf32>
    %get3A_60 = arith.constant 0 : index
    %get3A_61 = arith.constant 0 : index
    %get3A_62 = vector.load %arg9[%get3A_60, %get3A_61] : memref<1x64xf32, #tpu.memory_space<vmem>>, vector<1x64xf32>
    %sub3A = vector.broadcast %get3A_62 : vector<1x64xf32> to vector<8x64xf32>
    %sub3A_63 = arith.subf %convert_element_type3A_59, %sub3A : vector<8x64xf32>
    %integer_pow3A = arith.mulf %sub3A_63, %sub3A_63 : vector<8x64xf32>
    %neg3A = arith.constant 0.000000e+00 : f32
    %neg3A_64 = vector.broadcast %neg3A : f32 to vector<8x64xf32>
    %neg3A_65 = arith.subf %neg3A_64, %integer_pow3A : vector<8x64xf32>
    %mul3A = arith.constant 0.222222224 : f32
    %mul3A_66 = vector.broadcast %mul3A : f32 to vector<8x64xf32>
    %mul3A_67 = arith.mulf %neg3A_65, %mul3A_66 : vector<8x64xf32>
    %get3A_68 = arith.constant 0 : index
    %get3A_69 = arith.constant 0 : index
    %get3A_70 = vector.load %arg8[%get3A_68, %get3A_69] : memref<64x128xf32, #tpu.memory_space<vmem>>, vector<64x128xf32>
    %dot_general3A_71 = arith.constant dense<0.000000e+00> : vector<64x4096xf32>
    %dot_general3A_72 = tpu.matmul %get3A_70, %add3A_55, %dot_general3A_71 {dimension_numbers = #tpu.dot_dimension_numbers<[1], [0], [0], [1], [0, 0, 1, 1], [], []>, transpose_lhs_hint = false} : vector<64x128xf32>, vector<128x4096xf32>, vector<64x4096xf32> -> vector<64x4096xf32>
    %mul3A_73 = arith.constant 0.0883883461 : f32
    %mul3A_74 = vector.broadcast %mul3A_73 : f32 to vector<64x4096xf32>
    %mul3A_75 = arith.mulf %dot_general3A_72, %mul3A_74 : vector<64x4096xf32>
    %dot_general3A_76 = arith.constant dense<0.000000e+00> : vector<64x4096xf32>
    %dot_general3A_77 = tpu.matmul %mul3A_67, %convert_element_type3A_8, %dot_general3A_76 {dimension_numbers = #tpu.dot_dimension_numbers<[0], [1], [1], [0], [0, 1, 1, 0], [], []>, transpose_lhs_hint = false} : vector<8x64xf32>, vector<4096x8xf32>, vector<64x4096xf32> -> vector<64x4096xf32>
    %add3A_78 = arith.addf %mul3A_75, %dot_general3A_77 : vector<64x4096xf32>
    %swap3A_79 = arith.constant 0 : index
    %swap3A_80 = arith.constant 0 : index
    %swap3A_81 = vector.load %arg13[%swap3A_79, %swap3A_80] : memref<64x4096xf32, #tpu.memory_space<vmem>>, vector<64x4096xf32>
    tpu.vector_store %arg13[%swap3A_79, %swap3A_80], %add3A_78 {strides = array<i32>} : memref<64x4096xf32, #tpu.memory_space<vmem>>, vector<64x4096xf32>,
    %reduce_max3A = arith.constant dense<0xFF800000> : vector<4096xf32>
    %reduce_max3A_82 = vector.multi_reduction <maximumf>, %add3A_78, %reduce_max3A [0] : vector<64x4096xf32> to vector<4096xf32>
    %broadcast_in_dim3A = vector.shape_cast %reduce_max3A_82 : vector<4096xf32> to vector<1x4096xf32>
    %sub3A_83 = vector.broadcast %broadcast_in_dim3A : vector<1x4096xf32> to vector<64x4096xf32>
    %sub3A_84 = arith.subf %add3A_78, %sub3A_83 : vector<64x4096xf32>
    %exp3A = math.exp %sub3A_84 : vector<64x4096xf32>
    %reduce_sum3A = arith.constant dense<0.000000e+00> : vector<4096xf32>
    %reduce_sum3A_85 = vector.multi_reduction <add>, %exp3A, %reduce_sum3A [0] : vector<64x4096xf32> to vector<4096xf32>
    %broadcast_in_dim3A_86 = vector.shape_cast %reduce_sum3A_85 : vector<4096xf32> to vector<1x4096xf32>
    %div3A = vector.broadcast %broadcast_in_dim3A_86 : vector<1x4096xf32> to vector<64x4096xf32>
    %div3A_87 = arith.divf %exp3A, %div3A : vector<64x4096xf32>
    %get3A_88 = arith.constant 0 : index
    %get3A_89 = arith.constant 0 : index
    %get3A_90 = vector.load %arg14[%get3A_88, %get3A_89] : memref<64x1xf32, #tpu.memory_space<vmem>>, vector<64x1xf32>
    %reduce_sum3A_91 = arith.constant dense<0.000000e+00> : vector<64xf32>
    %reduce_sum3A_92 = vector.multi_reduction <add>, %div3A_87, %reduce_sum3A_91 [1] : vector<64x4096xf32> to vector<64xf32>
    %broadcast_in_dim3A_93 = vector.shape_cast %reduce_sum3A_92 : vector<64xf32> to vector<64x1xf32>
    %add3A_94 = arith.addf %get3A_90, %broadcast_in_dim3A_93 : vector<64x1xf32>
    %swap3A_95 = arith.constant 0 : index
    %swap3A_96 = arith.constant 0 : index
    %swap3A_97 = vector.load %arg14[%swap3A_95, %swap3A_96] : memref<64x1xf32, #tpu.memory_space<vmem>>, vector<64x1xf32>
    tpu.vector_store %arg14[%swap3A_95, %swap3A_96], %add3A_94 {strides = array<i32>} : memref<64x1xf32, #tpu.memory_space<vmem>>, vector<64x1xf32>,
    return
  }
  func.func @transform_0(%arg0: i32) -> (i32, i32) {
    %c0_i32 = arith.constant 0 : i32
    %c0_i32_0 = arith.constant 0 : i32
    return %arg0, %c0_i32 : i32, i32
  }
  func.func @transform_1(%arg0: i32) -> (i32, i32) {
    %c0_i32 = arith.constant 0 : i32
    %c0_i32_0 = arith.constant 0 : i32
    return %arg0, %c0_i32 : i32, i32
  }
  func.func @transform_2(%arg0: i32) -> (i32, i32) {
    %c0_i32 = arith.constant 0 : i32
    %c0_i32_0 = arith.constant 0 : i32
    return %arg0, %c0_i32 : i32, i32
  }
  func.func @transform_3(%arg0: i32) -> (i32, i32) {
    %c0_i32 = arith.constant 0 : i32
    %c0_i32_0 = arith.constant 0 : i32
    return %arg0, %c0_i32 : i32, i32
  }
  func.func @transform_4(%arg0: i32) -> (i32, i32) {
    %c0_i32 = arith.constant 0 : i32
    %c0_i32_0 = arith.constant 0 : i32
    %c0_i32_1 = arith.constant 0 : i32
    return %c0_i32, %c0_i32_0 : i32, i32
  }
  func.func @transform_5(%arg0: i32) -> (i32, i32) {
    %c0_i32 = arith.constant 0 : i32
    %c0_i32_0 = arith.constant 0 : i32
    %c0_i32_1 = arith.constant 0 : i32
    return %c0_i32, %c0_i32_0 : i32, i32
  }
  func.func @transform_6(%arg0: i32) -> (i32, i32) {
    %c0_i32 = arith.constant 0 : i32
    %c0_i32_0 = arith.constant 0 : i32
    %c0_i32_1 = arith.constant 0 : i32
    return %c0_i32, %c0_i32_0 : i32, i32
  }
  func.func @transform_7(%arg0: i32) -> (i32, i32) {
    %c0_i32 = arith.constant 0 : i32
    %c0_i32_0 = arith.constant 0 : i32
    %c0_i32_1 = arith.constant 0 : i32
    return %c0_i32, %c0_i32_0 : i32, i32
  }
  func.func @transform_8(%arg0: i32) -> (i32, i32) {
    %c0_i32 = arith.constant 0 : i32
    %c0_i32_0 = arith.constant 0 : i32
    %c0_i32_1 = arith.constant 0 : i32
    return %c0_i32, %c0_i32_0 : i32, i32
  }
  func.func @transform_9(%arg0: i32) -> (i32, i32) {
    %c0_i32 = arith.constant 0 : i32
    %c0_i32_0 = arith.constant 0 : i32
    %c0_i32_1 = arith.constant 0 : i32
    return %c0_i32, %c0_i32_0 : i32, i32
  }
  func.func @transform_10(%arg0: i32) -> (i32, i32) {
    %c0_i32 = arith.constant 0 : i32
    %c0_i32_0 = arith.constant 0 : i32
    %c0_i32_1 = arith.constant 0 : i32
    return %c0_i32, %c0_i32_0 : i32, i32
  }
  func.func @transform_11(%arg0: i32) -> (i32, i32) {
    %c0_i32 = arith.constant 0 : i32
    %c0_i32_0 = arith.constant 0 : i32
    return %c0_i32, %arg0 : i32, i32
  }
  func.func @transform_12(%arg0: i32) -> (i32, i32) {
    %c0_i32 = arith.constant 0 : i32
    %c0_i32_0 = arith.constant 0 : i32
    return %c0_i32, %arg0 : i32, i32
  }
  func.func @transform_13(%arg0: i32) -> (i32, i32) {
    %c0_i32 = arith.constant 0 : i32
    %c0_i32_0 = arith.constant 0 : i32
    %c0_i32_1 = arith.constant 0 : i32
    return %c0_i32, %c0_i32_0 : i32, i32
  }
  func.func @transform_14(%arg0: i32) -> (i32, i32) {
    %c0_i32 = arith.constant 0 : i32
    %c0_i32_0 = arith.constant 0 : i32
    %c0_i32_1 = arith.constant 0 : i32
    return %c0_i32, %c0_i32_0 : i32, i32
  }
  func.func @transform_15(%arg0: i32) -> (i32, i32) {
    %c0_i32 = arith.constant 0 : i32
    %c0_i32_0 = arith.constant 0 : i32
    %c0_i32_1 = arith.constant 0 : i32
    return %c0_i32, %c0_i32_0 : i32, i32
  }
  func.func @transform_16(%arg0: i32) -> (i32, i32) {
    %c0_i32 = arith.constant 0 : i32
    %c0_i32_0 = arith.constant 0 : i32
    %c0_i32_1 = arith.constant 0 : i32
    return %c0_i32, %c0_i32_0 : i32, i32
  }
}

module attributes {stable_mosaic.version = 14 : i64} {
  func.func @_head_body(%arg0: i32, %arg1: memref<128x4096xf32, #tpu.memory_space<vmem>>, %arg2: memref<128x4096xf32, #tpu.memory_space<vmem>>, %arg3: memref<128x64xf32, #tpu.memory_space<vmem>>, %arg4: memref<64x1xf32, #tpu.memory_space<vmem>>, %arg5: memref<64x8xf32, #tpu.memory_space<vmem>>, %arg6: memref<8x1xf32, #tpu.memory_space<vmem>>, %arg7: memref<64x1xf32, #tpu.memory_space<vmem>>, %arg8: memref<32x128xf32, #tpu.memory_space<vmem>>, %arg9: memref<4096x8xf32, #tpu.memory_space<vmem>>, %arg10: memref<1x1xf32, #tpu.memory_space<vmem>>) attributes {dimension_semantics = [#tpu.dimension_semantics<arbitrary>], iteration_bounds = array<i64: 4>, scalar_prefetch = 0 : i64, scratch_operands = 0 : i64, tpu.core_type = #tpu.core_type<tc>, window_params = [{transform_indices = @transform_0, window_bounds = array<i64: 128, 4096>}, {transform_indices = @transform_1, window_bounds = array<i64: 128, 4096>}, {pipeline_mode = #tpu.pipeline_mode<synchronous>, transform_indices = @transform_2, window_bounds = array<i64: 128, 64>}, {pipeline_mode = #tpu.pipeline_mode<synchronous>, transform_indices = @transform_3, window_bounds = array<i64: 64, 1>}, {pipeline_mode = #tpu.pipeline_mode<synchronous>, transform_indices = @transform_4, window_bounds = array<i64: 64, 8>}, {pipeline_mode = #tpu.pipeline_mode<synchronous>, transform_indices = @transform_5, window_bounds = array<i64: 8, 1>}, {pipeline_mode = #tpu.pipeline_mode<synchronous>, transform_indices = @transform_6, window_bounds = array<i64: 64, 1>}, {pipeline_mode = #tpu.pipeline_mode<synchronous>, transform_indices = @transform_7, window_bounds = array<i64: 32, 128>}, {transform_indices = @transform_8, window_bounds = array<i64: 4096, 8>}, {pipeline_mode = #tpu.pipeline_mode<synchronous>, transform_indices = @transform_9, window_bounds = array<i64: 1, 1>}]} {
    %get3A = arith.constant 0 : index
    %get3A_0 = arith.constant 0 : index
    %get3A_1 = vector.load %arg2[%get3A, %get3A_0] : memref<128x4096xf32, #tpu.memory_space<vmem>>, vector<128x4096xf32>
    %get3A_2 = arith.constant 0 : index
    %get3A_3 = arith.constant 0 : index
    %get3A_4 = vector.load %arg1[%get3A_2, %get3A_3] : memref<128x4096xf32, #tpu.memory_space<vmem>>, vector<128x4096xf32>
    %add3A = arith.addf %get3A_1, %get3A_4 : vector<128x4096xf32>
    %get3A_5 = arith.constant 0 : index
    %get3A_6 = arith.constant 0 : index
    %get3A_7 = vector.load %arg3[%get3A_5, %get3A_6] : memref<128x64xf32, #tpu.memory_space<vmem>>, vector<128x64xf32>
    %dot_general3A = arith.constant dense<0.000000e+00> : vector<64x4096xf32>
    %dot_general3A_8 = tpu.matmul %get3A_7, %add3A, %dot_general3A {dimension_numbers = #tpu.dot_dimension_numbers<[0], [0], [1], [1], [0, 1, 1, 1], [], []>, transpose_lhs_hint = false} : vector<128x64xf32>, vector<128x4096xf32>, vector<64x4096xf32> -> vector<64x4096xf32>
    %get3A_9 = arith.constant 0 : index
    %get3A_10 = arith.constant 0 : index
    %get3A_11 = vector.load %arg4[%get3A_9, %get3A_10] : memref<64x1xf32, #tpu.memory_space<vmem>>, vector<64x1xf32>
    %add3A_12 = vector.broadcast %get3A_11 : vector<64x1xf32> to vector<64x4096xf32>
    %add3A_13 = arith.addf %dot_general3A_8, %add3A_12 : vector<64x4096xf32>
    %max3A = arith.constant 0.000000e+00 : f32
    %max3A_14 = vector.broadcast %max3A : f32 to vector<64x4096xf32>
    %max3A_15 = arith.maximumf %add3A_13, %max3A_14 : vector<64x4096xf32>
    %get3A_16 = arith.constant 0 : index
    %get3A_17 = arith.constant 0 : index
    %get3A_18 = vector.load %arg5[%get3A_16, %get3A_17] : memref<64x8xf32, #tpu.memory_space<vmem>>, vector<64x8xf32>
    %dot_general3A_19 = arith.constant dense<0.000000e+00> : vector<8x4096xf32>
    %dot_general3A_20 = tpu.matmul %get3A_18, %max3A_15, %dot_general3A_19 {dimension_numbers = #tpu.dot_dimension_numbers<[0], [0], [1], [1], [0, 1, 1, 1], [], []>, transpose_lhs_hint = false} : vector<64x8xf32>, vector<64x4096xf32>, vector<8x4096xf32> -> vector<8x4096xf32>
    %get3A_21 = arith.constant 0 : index
    %get3A_22 = arith.constant 0 : index
    %get3A_23 = vector.load %arg6[%get3A_21, %get3A_22] : memref<8x1xf32, #tpu.memory_space<vmem>>, vector<8x1xf32>
    %add3A_24 = vector.broadcast %get3A_23 : vector<8x1xf32> to vector<8x4096xf32>
    %add3A_25 = arith.addf %dot_general3A_20, %add3A_24 : vector<8x4096xf32>
    %neg3A = arith.constant 0.000000e+00 : f32
    %neg3A_26 = vector.broadcast %neg3A : f32 to vector<8x4096xf32>
    %neg3A_27 = arith.subf %neg3A_26, %add3A_25 : vector<8x4096xf32>
    %exp3A = math.exp %neg3A_27 : vector<8x4096xf32>
    %add3A_28 = arith.constant 1.000000e+00 : f32
    %add3A_29 = vector.broadcast %add3A_28 : f32 to vector<8x4096xf32>
    %add3A_30 = arith.addf %add3A_29, %exp3A : vector<8x4096xf32>
    %div3A = arith.constant 1.000000e+00 : f32
    %div3A_31 = vector.broadcast %div3A : f32 to vector<8x4096xf32>
    %div3A_32 = arith.divf %div3A_31, %add3A_30 : vector<8x4096xf32>
    %transpose3A = tpu.transpose %div3A_32, [1, 0] : vector<8x4096xf32> -> vector<4096x8xf32>
    %swap3A = arith.constant 0 : index
    %swap3A_33 = arith.constant 0 : index
    %swap3A_34 = vector.load %arg9[%swap3A, %swap3A_33] : memref<4096x8xf32, #tpu.memory_space<vmem>>, vector<4096x8xf32>
    tpu.vector_store %arg9[%swap3A, %swap3A_33], %transpose3A {strides = array<i32>} : memref<4096x8xf32, #tpu.memory_space<vmem>>, vector<4096x8xf32>,
    %eq3A = arith.constant 0 : i32
    %eq3A_35 = arith.cmpi eq, %arg0, %eq3A : i32
    %convert_element_type3A = arith.extui %eq3A_35 : i1 to i32
    %cond3A = arith.constant 0 : i32
    %cond3A_36 = arith.cmpi ne, %convert_element_type3A, %cond3A : i32
    scf.if %cond3A_36 {
      %get3A_37 = arith.constant 0 : index
      %get3A_38 = arith.constant 0 : index
      %get3A_39 = vector.load %arg8[%get3A_37, %get3A_38] : memref<32x128xf32, #tpu.memory_space<vmem>>, vector<32x128xf32>
      %slice3A = vector.extract_strided_slice %get3A_39 {offsets = [0, 0], sizes = [32, 64], strides = [1, 1]} : vector<32x128xf32> to vector<32x64xf32>
      %reduce_sum3A = arith.constant dense<0.000000e+00> : vector<64xf32>
      %reduce_sum3A_40 = vector.multi_reduction <add>, %slice3A, %reduce_sum3A [0] : vector<32x64xf32> to vector<64xf32>
      %broadcast_in_dim3A = vector.shape_cast %reduce_sum3A_40 : vector<64xf32> to vector<1x64xf32>
      %get3A_41 = arith.constant 0 : index
      %get3A_42 = arith.constant 0 : index
      %get3A_43 = vector.load %arg7[%get3A_41, %get3A_42] : memref<64x1xf32, #tpu.memory_space<vmem>>, vector<64x1xf32>
      %dot_general3A_44 = arith.constant dense<0.000000e+00> : vector<1x1xf32>
      %dot_general3A_45 = tpu.matmul %broadcast_in_dim3A, %get3A_43, %dot_general3A_44 {dimension_numbers = #tpu.dot_dimension_numbers<[1], [0], [0], [1], [0, 0, 1, 1], [], []>, transpose_lhs_hint = false} : vector<1x64xf32>, vector<64x1xf32>, vector<1x1xf32> -> vector<1x1xf32>
      %mul3A = arith.constant 5.96046448E-8 : f32
      %mul3A_46 = vector.broadcast %mul3A : f32 to vector<1x1xf32>
      %mul3A_47 = arith.mulf %mul3A_46, %dot_general3A_45 : vector<1x1xf32>
      %swap3A_48 = arith.constant 0 : index
      %swap3A_49 = arith.constant 0 : index
      %swap3A_50 = vector.load %arg10[%swap3A_48, %swap3A_49] : memref<1x1xf32, #tpu.memory_space<vmem>>, vector<1x1xf32>
      tpu.vector_store %arg10[%swap3A_48, %swap3A_49], %mul3A_47 {strides = array<i32>} : memref<1x1xf32, #tpu.memory_space<vmem>>, vector<1x1xf32>,
    } else {
    }
    return
  }
  func.func @transform_0(%arg0: i32) -> (i32, i32) {
    %c0_i32 = arith.constant 0 : i32
    %c0_i32_0 = arith.constant 0 : i32
    return %c0_i32, %arg0 : i32, i32
  }
  func.func @transform_1(%arg0: i32) -> (i32, i32) {
    %c0_i32 = arith.constant 0 : i32
    %c0_i32_0 = arith.constant 0 : i32
    return %c0_i32, %arg0 : i32, i32
  }
  func.func @transform_2(%arg0: i32) -> (i32, i32) {
    %c0_i32 = arith.constant 0 : i32
    %c0_i32_0 = arith.constant 0 : i32
    %c0_i32_1 = arith.constant 0 : i32
    return %c0_i32, %c0_i32_0 : i32, i32
  }
  func.func @transform_3(%arg0: i32) -> (i32, i32) {
    %c0_i32 = arith.constant 0 : i32
    %c0_i32_0 = arith.constant 0 : i32
    %c0_i32_1 = arith.constant 0 : i32
    return %c0_i32, %c0_i32_0 : i32, i32
  }
  func.func @transform_4(%arg0: i32) -> (i32, i32) {
    %c0_i32 = arith.constant 0 : i32
    %c0_i32_0 = arith.constant 0 : i32
    %c0_i32_1 = arith.constant 0 : i32
    return %c0_i32, %c0_i32_0 : i32, i32
  }
  func.func @transform_5(%arg0: i32) -> (i32, i32) {
    %c0_i32 = arith.constant 0 : i32
    %c0_i32_0 = arith.constant 0 : i32
    %c0_i32_1 = arith.constant 0 : i32
    return %c0_i32, %c0_i32_0 : i32, i32
  }
  func.func @transform_6(%arg0: i32) -> (i32, i32) {
    %c0_i32 = arith.constant 0 : i32
    %c0_i32_0 = arith.constant 0 : i32
    %c0_i32_1 = arith.constant 0 : i32
    return %c0_i32, %c0_i32_0 : i32, i32
  }
  func.func @transform_7(%arg0: i32) -> (i32, i32) {
    %c0_i32 = arith.constant 0 : i32
    %c0_i32_0 = arith.constant 0 : i32
    %c0_i32_1 = arith.constant 0 : i32
    return %c0_i32, %c0_i32_0 : i32, i32
  }
  func.func @transform_8(%arg0: i32) -> (i32, i32) {
    %c0_i32 = arith.constant 0 : i32
    %c0_i32_0 = arith.constant 0 : i32
    return %arg0, %c0_i32 : i32, i32
  }
  func.func @transform_9(%arg0: i32) -> (i32, i32) {
    %c0_i32 = arith.constant 0 : i32
    %c0_i32_0 = arith.constant 0 : i32
    %c0_i32_1 = arith.constant 0 : i32
    return %c0_i32, %c0_i32_0 : i32, i32
  }
}

</mosaic_0001>

<sc_bundles>
// kernel: _run.5.cloned.1.call-start
scs
__scs_entry_jumppad:
0x0: {  	(pc) =	sbr.rel $0x88, $3  }
0x1: {  	(tag) =	ssettag $0x0;
	lr =	simm.s32 $0x1  }
0x2: {  	[smem:$0x3F91] =	sst lr;
	_ =	strace $0xD0000000  }
0x3: {  	_ = 	snop  }
0x4: {  	_ = 	snop  }
0x5: {  	_ = 	snop  }
0x6: {  	_ = 	snop  }
0x7: {  	_ = 	snop  }
__scs_overlays_trampoline_lowered:
0x8: {  	[smem:$0x3FA0] =	sst s0  }
0x9: {  	[smem:$0x3FA1] =	sst s1  }
0xa: {  	[smem:$0x3FA2] =	sst s2  }
0xb: {  	[smem:$0x3FA3] =	sst s3  }
0xc: {  	[smem:$0x3FA4] =	sst s4  }
0xd: {  	[smem:$0x3FA5] =	sst s5  }
0xe: {  	[smem:$0x3FA6] =	sst s6  }
0xf: {  	[smem:$0x3FA7] =	sst s7  }
0x10: {  	[smem:$0x3FA8] =	sst s8  }
0x11: {  	[smem:$0x3FA9] =	sst s9;
	s0 =	simm.s32 @!p0 $0x0  }
0x12: {  	s1 =	sld [smem:$0x3F8F];
	s0 =	simm.s32 @p0 $0x1  }
0x13: {  	[smem:$0x3FAA] =	sst s0;
	s0 =	simm.s32 @!p1 $0x0  }
0x14: {  	s2 =	sld [smem:$0x3F8E];
	s0 =	simm.s32 @p1 $0x1  }
0x15: {  	[smem:$0x3FAB] =	sst s0;
	s0 =	simm.s32 @!p2 $0x0  }
0x16: {  	s3 =	sld [smem:$0x3FDB];
	s0 =	simm.s32 @p2 $0x1  }
0x17: {  	s4 =	simm.s32 $0x1BF5;
	[smem:$0x3FAD] =	sst s0  }
0x18: {  	s0 =	sld [smem:$0x3F90];
	_ =	swait.ge [sflag:s4], $0x0  }
0x19: {  	s7 =	sld [smem:$0x3F91]  }
0x1a: {  	s8 =	sadd.s32 $0xFFFFE003, lr  }
0x1b: {  	s9 =	sadd.s32 $0xFFFFFEF7, lr;
	s5 =	simm.s32 $0xFFFFFFFF;
	p2 =	slt.u32 s8, $0xFFFFF086  }
0x1c: {  	p1 =	slt.u32 s9, $0xF7A;
	s5 =	simm.s32 @!p2 $0x0  }
0x1d: {  	s5 =	simm.s32 @p1 $0x1;
	p0 =	seq.s32 s7, s2  }
0x1e: {  	s7 =	smul.u32 @!p0 $0xF7A, s2;
	p2 =	seq.s32 @!p0 s5, $0x0  }
0x1f: {  	s9 =	smul.u32 $0xF7A, s1;
	s8 =	simm.s32 @!p0 $0x1BF5;
	p2 =	por !p2, p0  }
0x20: {  	[sflag:s8] =	ssyncset.s32 @!p0 $0xFFFFF086;
	s6 =	sadd.s32 @!p0 s3, s7;
	s7 =	simm.s32 @!p0 $0x108  }
0x21: {  	s3 =	sadd.s32 s3, s9;
	s6 =	sadd.s32 @!p0 $0x88, s6;
	s7 =	simm.s32 @p2 $0x1082  }
0x22: {  	[simem:s7], [sflag:s8] =	dma.local @!p0 [hbm:s6], $0xF7A  }
0x23: {  	s9 =	sor.u32 $0xD0000000, s2;
	s6 =	simm.s32 $0x108;
	_ =	swait.ge @!p0 [sflag:s8], $0x0  }
0x24: {  	s3 =	sadd.s32 $0x88, s3;
	s6 =	simm.s32 @!p1 $0x1082;
	[sflag:s4] =	ssyncset.s32 $0xFFFFF086  }
0x25: {  	[simem:s6], [sflag:s4] =	dma.local [hbm:s3], $0xF7A  }
0x26: {  	[smem:$0x3F91] =	sst s1;
	(tag) =	ssettag s2;
	_ =	strace s9  }
0x27: {  	s1 =	sld [smem:$0x3FA1]  }
0x28: {  	s2 =	sld [smem:$0x3FA2]  }
0x29: {  	s4 =	sld [smem:$0x3FA4]  }
0x2a: {  	p0 =	seq.s32 s5, $0x0;
	s5 =	sld [smem:$0x3FA5]  }
0x2b: {  	s6 =	sld [smem:$0x3FA6]  }
0x2c: {  	s7 =	sld [smem:$0x3FA7]  }
0x2d: {  	s3 =	simm.s32 $0x108;
	s8 =	sld [smem:$0x3FA8]  }
0x2e: {  	s3 =	simm.s32 @!p0 $0x1082;
	s9 =	sld [smem:$0x3FA9]  }
0x2f: {  	lr =	sadd.s32 s0, s3;
	s0 =	sld [smem:$0x3FA0]  }
0x30: {  	s3 =	sld [smem:$0x3FA3]  }
0x31: {  	[smem:$0x3FAC] =	sst s10  }
0x32: {  	s10 =	sld [smem:$0x3FAA];
	_ =	sdelay $0x3  }
0x33: {  	p0 =	seq.s32 s10, $0x1;
	s10 =	sld [smem:$0x3FAC];
	_ =	sdelay $0x3  }
0x34: {  	[smem:$0x3FAC] =	sst s10  }
0x35: {  	s10 =	sld [smem:$0x3FAB];
	_ =	sdelay $0x3  }
0x36: {  	p1 =	seq.s32 s10, $0x1;
	s10 =	sld [smem:$0x3FAC];
	_ =	sdelay $0x3  }
0x37: {  	[smem:$0x3FAC] =	sst s10  }
0x38: {  	s10 =	sld [smem:$0x3FAD]  }
0x39: {  	_ = 	snop;
	(pc) =	sbr.ind lr, $3  }
0x3a: {  	_ = 	snop  }
0x3b: {  	_ = 	snop  }
0x3c: {  	p2 =	seq.s32 s10, $0x1;
	s10 =	sld [smem:$0x3FAC]  }
0x3d: {  	_ =	shalt  }
0x3e: {  	_ =	shalt  }
0x3f: {  	_ =	shalt  }
0x40: {  	_ =	shalt  }
0x41: {  	_ =	shalt  }
0x42: {  	_ =	shalt  }
0x43: {  	_ =	shalt  }
0x44: {  	_ =	shalt  }
0x45: {  	_ =	shalt  }
0x46: {  	_ =	shalt  }
0x47: {  	_ =	shalt  }
0x48: {  	_ =	shalt  }
0x49: {  	_ =	shalt  }
0x4a: {  	_ =	shalt  }
0x4b: {  	_ =	shalt  }
0x4c: {  	_ =	shalt  }
0x4d: {  	_ =	shalt  }
0x4e: {  	_ =	shalt  }
0x4f: {  	_ =	shalt  }
0x50: {  	_ =	shalt  }
0x51: {  	_ =	shalt  }
0x52: {  	_ =	shalt  }
0x53: {  	_ =	shalt  }
0x54: {  	_ =	shalt  }
0x55: {  	_ =	shalt  }
0x56: {  	_ =	shalt  }
0x57: {  	_ =	shalt  }
0x58: {  	_ =	shalt  }
0x59: {  	_ =	shalt  }
0x5a: {  	_ =	shalt  }
0x5b: {  	_ =	shalt  }
0x5c: {  	_ =	shalt  }
0x5d: {  	_ =	shalt  }
0x5e: {  	_ =	shalt  }
0x5f: {  	_ =	shalt  }
0x60: {  	_ =	shalt  }
0x61: {  	_ =	shalt  }
0x62: {  	_ =	shalt  }
0x63: {  	_ =	shalt  }
0x64: {  	_ =	shalt  }
0x65: {  	_ =	shalt  }
0x66: {  	_ =	shalt  }
0x67: {  	_ =	shalt  }
0x68: {  	_ =	shalt  }
0x69: {  	_ =	shalt  }
0x6a: {  	_ =	shalt  }
0x6b: {  	_ =	shalt  }
0x6c: {  	_ =	shalt  }
0x6d: {  	_ =	shalt  }
0x6e: {  	_ =	shalt  }
0x6f: {  	_ =	shalt  }
0x70: {  	_ =	shalt  }
0x71: {  	_ =	shalt  }
0x72: {  	_ =	shalt  }
0x73: {  	_ =	shalt  }
0x74: {  	_ =	shalt  }
0x75: {  	_ =	shalt  }
0x76: {  	_ =	shalt  }
0x77: {  	_ =	shalt  }
0x78: {  	_ =	shalt  }
0x79: {  	_ =	shalt  }
0x7a: {  	_ =	shalt  }
0x7b: {  	_ =	shalt  }
0x7c: {  	_ =	shalt  }
0x7d: {  	_ =	shalt  }
0x7e: {  	_ =	shalt  }
0x7f: {  	_ =	shalt  }
0x80: {  	_ =	shalt  }
0x81: {  	_ =	shalt  }
0x82: {  	_ =	shalt  }
0x83: {  	_ =	shalt  }
0x84: {  	_ =	shalt  }
0x85: {  	_ =	shalt  }
0x86: {  	_ =	shalt  }
0x87: {  	_ =	shalt  }
.Lfunc_end0:
.L_simem_size_0:
called_computation_lowered:
.L_overlay_start_0:
0x88: {  	s2 =	sld [smem:$0x3FD9]  }
0x89: {  	s3 =	sld [smem:$0x3FFE];
	_ =	sdelay $0x1  }
0x8a: {  	s1 =	srdreg.scid  }
0x8b: {  	s0 =	sand.u32 $0x1, s1  }
0x8c: {  	s14 =	sshll.u32 s0, $0xA;
	s2 =	sadd.s32 s3, s2  }
0x8d: {  	s2 =	sadd.s32 s2, s14  }
0x8e: {  	[smem:$0x3FB8] =	sst s2  }
0x8f: {  	_ = 	snop  }
0x90: {  	s2 =	sld [smem:$0x3FD0];
	_ =	sdelay $0x2  }
0x91: {  	s4 =	simm.s32 $0xA;
	s5 =	simm.s32 $0x10;
	s15 =	sld [smem:$0x3FC9]  }
0x92: {  	[smem:s5], [sflag:s4] =	dma.local [hbm:s2], $0x1  }
0x93: {  	_ =	swait.eq [sflag:s4], $0x1  }
0x94: {  	s16 =	sld [smem:$0x10];
	[sflag:s4] =	ssyncset.done $0x0  }
0x95: {  	s17 =	sld [smem:$0x11];
	[sflag:s4] =	ssyncadd.s32 $0xFFFFFFFF  }
0x96: {  	s18 =	sld [smem:$0x12];
	(tm) =	ssettm $0x1  }
0x97: {  	s6 =	sld [smem:$0x3FFB];
	_ =	sdelay $0x3  }
0x98: {  	_ =	strace s6  }
0x99: {  	s6 =	sld [smem:$0x3FFC];
	_ =	sdelay $0x3  }
0x9a: {  	_ =	strace s6  }
0x9b: {  	s6 =	sld [smem:$0x3FFD];
	_ =	sdelay $0x3  }
0x9c: {  	_ =	strace s6  }
0x9d: {  	_ =	strace $0x8FFFFFFF  }
0x9e: {  	s19 =	sld [smem:$0x3FDB];
	_ =	sdelay $0x1  }
0x9f: {  	s7 =	simm.s32 $_scs_section_size  }
0xa0: {  	s8 =	simm.s32 $_size__tile_overlayer_lowered;
	s9 =	simm.s32 $_tile_overlayer_lowered  }
0xa1: {  	s22 =	simm.s32 $0x1BFF;
	s21 =	sshll.u32 s9, $0x1;
	s6 =	sadd.s32 s7, s19  }
0xa2: {  	s10 =	simm.s32 $0x0;
	s20 =	sshll.u32 s8, $0x1;
	s8 =	sadd.s32 s21, s6  }
0xa3: {  	[timem:s10], [sflag:s22] =	dma.local [hbm:s8], s20  }
0xa4: {  	_ =	swait.ge [sflag:s22], s20  }
0xa5: {  	s7 =	ssub.s32 $0x0, s20;
	[sflag:s22] =	ssyncset.done $0x0  }
0xa6: {  	[sflag:s22] =	ssyncadd.s32 s7;
	_ =	sdelay $0x1  }
0xa7: {  	s23 =	simm.s32 $0x1B8B  }
0xa8: {  	_ =	swait.ge [sflag:s23], $0x1  }
0xa9: {  	[sflag:s23] =	ssyncset.done $0x0  }
0xaa: {  	s25 =	simm.s32 $0x1B8E;
	s24 =	sld [smem:$0x3FFE];
	[sflag:s23] =	ssyncadd.s32 $0xFFFFFFFF  }
0xab: {  	s26 =	simm.s32 $execute0_lowered;
	[smem:$0x3FD2] =	sst s25  }
0xac: {  	s8 =	sshll.u32 s26, $0x1;
	_ =	strace $0x80000046;
	[dreg:$0x1] =	wrdreg $0xFFFFFFFF  }
0xad: {  	s28 =	simm.s32 $_size_execute0_lowered;
	s6 =	sadd.s32 s6, s8;
	[dreg:$0x0] =	wrdreg $0x0  }
0xae: {  	s8 =	sshll.u32 s28, $0x1;
	[dreg:$0x2] =	wrdreg s6  }
0xaf: {  	[dreg:$0x3] =	wrdreg s8  }
0xb0: {  	[dreg:$0x4] =	wrdreg $0xC0  }
0xb1: {  	_ =	task [dreg:s10], $0x5FFFF  }
0xb2: {  	[dreg:$0x1] =	wrdreg $0xFFFFFFFF  }
0xb3: {  	[dreg:$0x0] =	wrdreg $0x60  }
0xb4: {  	[dreg:$0x2] =	wrdreg s24  }
0xb5: {  	[dreg:$0x3] =	wrdreg s15  }
0xb6: {  	[dreg:$0x4] =	wrdreg s16  }
0xb7: {  	[dreg:$0x5] =	wrdreg s18  }
0xb8: {  	[dreg:$0x6] =	wrdreg s17  }
0xb9: {  	[dreg:$0x7] =	wrdreg $0x9  }
0xba: {  	_ =	task.clear_ibuf [dreg:s10], $0x8FFFF;
	_ =	strace $0x90000046  }
0xbb: {  	s29 =	simm.s32 $0x9;
	_ =	strace $0x80000048  }
0xbc: {  	_ =	swait.ge [sflag:s29], $0x1  }
0xbd: {  	[sflag:s29] =	ssyncadd.s32 $0xFFFFFFFF  }
0xbe: {  	_ =	strace $0x90000048  }
0xbf: {  	_ =	sfence  }
0xc0: {  	s30 =	sld [smem:$0x0];
	_ =	sdelay $0x2  }
0xc1: {  	s31 =	sshll.u32 s1, $0xD;
	s1 =	sshrl.u32 s1, $0x2  }
0xc2: {  	s3 =	sand.u32 $0x4000, s31;
	s1 =	sadd.s32 s1, s30  }
0xc3: {  	s0 =	sor.u32 s3, s0;
	s1 =	sshll.u32 s1, $0x11  }
0xc4: {  	s0 =	sor.u32 s1, s0  }
0xc5: {  	s0 =	sadd.s32 $0x8F2B, s0  }
0xc6: {  	[sflag:s0] =	ssyncadd.remote.s32 $0x1  }
0xc7: {  	_ =	sfence.sel $0xFFFF  }
0xc8: {  	[dreg:$0x0] =	wrdreg $0xFFFFFFFF;
	(pc) =	sbr.abs _section_cstart, $3  }
0xc9: {  	[dreg:$0x1] =	wrdreg $0xFFFFFFFF  }
0xca: {  	_ =	task.clear_ibuf [dreg:s10], $0x2FFFF;
	_ =	strace $0x9FFFFFFF  }
0xcb: {  	(tm) =	ssettm $0x7FFFFFFF  }
tec
execute0_lowered:
.L_overlay_start_1:
0x0: {  	(tag) =	ssettag $0x1  }
0x1: {  	s0 =	rddreg [dreg:$0x0]  }
0x2: {  	s1 =	rddreg [dreg:$0x1]  }
0x3: {  	s5 =	simm.s32 $0x0;
	s2 =	srdreg.scid;
	s3 =	stileid.u32  }
0x4: {  	s16 =	simm.s32 $0x2000;
	s8 =	simm.s32 $0x4A80;
	[smem:$0x7FF] =	sst s5  }
0x5: {  	s2 =	sand.u32 $0x1, s2;
	s3 =	sshll.u32 s3, $0x1;
	s4 =	sadd.s32 $0x3600, s0  }
0x6: {  	s25 =	sadd.s32 $0x23600, s0;
	_ =	strace $0x80000047;
	[dreg:$0xa] =	wrdreg s4  }
0x7: {  	s26 =	sadd.s32 $0x23800, s0;
	s6 =	sadd.s32 $0x23C00, s0;
	[dreg:$0xb] =	wrdreg s25  }
0x8: {  	s3 =	sor.u32 s2, s3;
	[dreg:$0xc] =	wrdreg s26;
	s2 =	ssub.s32 $0x2, s2  }
0x9: {  	[dreg:$0xd] =	wrdreg s6;
	s4 =	simm.s32 $0x20000;
	s28 =	sshll.u32 s3, $0x4  }
0xa: {  	s29 =	sshrl.u32 s2, $0x1;
	s30 =	sshll.u32 s3, $0x9;
	s3 =	sshll.u32 s3, $0x6  }
0xb: {  	s0 =	sadd.s32 s28, s0;
	[dreg:$0xe] =	wrdreg s30;
	s1 =	sadd.s32 s1, s3  }
0xc: {  	s2 =	ssub.s32 s2, s29;
	[dreg:$0xf] =	wrdreg s1;
	s0 =	sadd.s32 $0x23A00, s0  }
0xd: {  	s3 =	simm.s32 $0x400;
	s31 =	smax.u32 s2, $0x1;
	[dreg:$0x10] =	wrdreg s0  }
0xe: {  	s2 =	simm.s32 $0x1;
	s1 =	simm.s32 $0x0;
	[dreg:$0x11] =	wrdreg s31  }
.LBB2_1:
0xf: {  	[dreg:$0x12] =	wrdreg s1  }
0x10: {  	s0 =	rddreg [dreg:$0xf];
	s23 =	simm.s32 $0x4880  }
0x11: {  	[tilespmem:s23], [sflag:$0x1] =	stream.linear.gather [hbm4b:s0+s5], $0x200, $0x38;
	[tilespmem:$0x8D00] =	vst v63  }
0x12: {  	_ =	swait.ge [sflag:s2], $0x200  }
0x13: {  	[sflag:s2] =	ssyncset.done $0x0  }
0x14: {  	[sflag:s2] =	ssyncadd.s32 $0xFFFFFE00  }
0x15: {  	s24 =	rddreg [dreg:$0x2]  }
0x16: {  	[tilespmem:s16], [sflag:$0x1] =	stream.linear.gather [hbm4b:s24+s5], $0x2000, $0x38;
	[tilespmem:$0x8D00] =	vst v63  }
0x17: {  	_ =	swait.ge [sflag:s2], $0x2000  }
0x18: {  	[sflag:s2] =	ssyncset.done $0x0  }
0x19: {  	s26 =	simm.s32 $0x4000;
	s25 =	rddreg [dreg:$0xb];
	[sflag:s2] =	ssyncadd.s32 $0xFFFFE000  }
0x1a: {  	[tilespmem:s26], [sflag:$0x1] =	stream.linear.gather [hbm4b:s25+s5], $0x400, $0x38;
	[tilespmem:$0x8D00] =	vst v63  }
0x1b: {  	_ =	swait.ge [sflag:s2], $0x400  }
0x1c: {  	[sflag:s2] =	ssyncset.done $0x0  }
0x1d: {  	s29 =	simm.s32 $0x4400;
	s28 =	rddreg [dreg:$0xc];
	[sflag:s2] =	ssyncadd.s32 $0xFFFFFC00  }
0x1e: {  	[tilespmem:s29], [sflag:$0x1] =	stream.linear.gather [hbm4b:s28+s5], $0x400, $0x38;
	[tilespmem:$0x8D00] =	vst v63  }
0x1f: {  	_ =	swait.ge [sflag:s2], $0x400  }
0x20: {  	[sflag:s2] =	ssyncset.done $0x0  }
0x21: {  	[sflag:s2] =	ssyncadd.s32 $0xFFFFFC00  }
0x22: {  	s31 =	simm.s32 $0x4800;
	s30 =	rddreg [dreg:$0x3]  }
0x23: {  	[tilespmem:s31], [sflag:$0x1] =	stream.linear.gather [hbm4b:s30+s5], $0x80, $0x38;
	[tilespmem:$0x8D00] =	vst v63  }
0x24: {  	_ =	swait.ge [sflag:s2], $0x80  }
0x25: {  	[sflag:s2] =	ssyncset.done $0x0  }
0x26: {  	v0 =	vimm.f32 $0.0e+00;
	[sflag:s2] =	ssyncadd.s32 $0xFFFFFF80  }
0x27: {  	[tilespmem:$0x8C80] =	vst v0  }
0x28: {  	[tilespmem:$0x8C90] =	vst v0  }
0x29: {  	[tilespmem:$0x8CA0] =	vst v0  }
0x2a: {  	[tilespmem:$0x8CB0] =	vst v0  }
0x2b: {  	[tilespmem:$0x8CC0] =	vst v0  }
0x2c: {  	[tilespmem:$0x8CD0] =	vst v0  }
0x2d: {  	[tilespmem:$0x8CE0] =	vst v0  }
0x2e: {  	s0 =	simm.s32 $0x0;
	[tilespmem:$0x8CF0] =	vst v0  }
.LBB2_2:
0x2f: {  	[dreg:$0x13] =	wrdreg s0  }
0x30: {  	s29 =	sshll.u32 s0, $0x7;
	s1 =	rddreg [dreg:$0xe]  }
0x31: {  	s30 =	rddreg [dreg:$0xa];
	s5 =	sadd.s32 s1, s29  }
0x32: {  	s31 =	simm.s32 $0x0;
	[dreg:$0x14] =	wrdreg s5;
	s1 =	sadd.s32 s30, s5  }
0x33: {  	[tilespmem:s31], [sflag:$0x1] =	stream.strided.gather [hbm4b:s1+s3], $0x2000, s4, s3, $0x38;
	[tilespmem:$0x8D00] =	vst v63  }
0x34: {  	s0 =	sadd.s32 $0x4880, s29;
	_ =	swait.ge [sflag:s2], $0x2000  }
0x35: {  	v0 =	vmov s0;
	[sflag:s2] =	ssyncset.done $0x0  }
0x36: {  	s1 =	simm.s32 $0x0;
	[tilespmem:$0x1FFF0] =	vst v0;
	[sflag:s2] =	ssyncadd.s32 $0xFFFFE000;
	s2 =	simm.s32 $0x200  }
.LBB2_3:
0x37: {  	v3 =	vld [tilespmem:s2+$0xFFFFFE00];
	_ =	sdelay $0x1  }
0x38: {  	v4 =	vld [tilespmem:s2+$0xFFFFFE80];
	_ =	sdelay $0x1  }
0x39: {  	v5 =	vimm.f32 $-1.000000020e+30  }
0x3a: {  	v6 =	vimm.s32 $0x0;
	s0 =	simm.s32 $0x0;
	vm0 =	vgt.f32 v3, v5  }
0x3b: {  	v7 =	vsel vm0, v3, v5;
	v3 =	vsel vm0, v5, v3;
	v8 =	vnsel vm0, s0, v6  }
0x3c: {  	v9 =	vsel vm0, s0, v6;
	vm0 =	vgt.f32 v3, v5;
	vm1 =	vgt.f32 v4, v7  }
0x3d: {  	v10 =	vld [tilespmem:s2+$0xFFFFFF00];
	s24 =	simm.s32 $0x1;
	v11 =	vsel vm0, v3, v5;
	v3 =	vsel vm0, v5, v3;
	v12 =	vsel vm0, v6, v8  }
0x3e: {  	v8 =	vsel vm0, v8, v6;
	v13 =	vsel vm1, v7, v4;
	v14 =	vsel vm1, s24, v9  }
0x3f: {  	v9 =	vnsel vm1, s24, v9;
	vm0 =	vgt.f32 v3, v5;
	vm2 =	vgt.f32 v13, v11  }
0x40: {  	v4 =	vsel vm1, v4, v7;
	v15 =	vsel vm0, v5, v3;
	v7 =	vsel vm2, v9, v8  }
0x41: {  	v3 =	vsel vm0, v3, v5;
	v16 =	vsel vm0, v12, v6;
	v17 =	vsel vm2, v13, v11  }
0x42: {  	v18 =	vld [tilespmem:s2+$0xFFFFFF80];
	v12 =	vsel vm0, v6, v12;
	v11 =	vsel vm2, v11, v13;
	vm0 =	vgt.f32 v10, v4  }
0x43: {  	s25 =	simm.s32 $0x2;
	v8 =	vsel vm2, v8, v9;
	vm1 =	vgt.f32 v15, v5;
	vm3 =	vgt.f32 v11, v3  }
0x44: {  	v13 =	vsel vm0, s25, v14;
	v9 =	vnsel vm0, s25, v14;
	v14 =	vsel vm0, v10, v4  }
0x45: {  	v4 =	vsel vm0, v4, v10;
	v5 =	vsel vm1, v15, v5;
	v6 =	vsel vm1, v12, v6;
	v15 =	vld [tilespmem:s2+$0x0]  }
0x46: {  	v12 =	vsel vm3, v11, v3;
	v3 =	vsel vm3, v3, v11;
	v11 =	vsel vm3, v8, v16  }
0x47: {  	s26 =	simm.s32 $0x3;
	v8 =	vsel vm3, v16, v8;
	vm0 =	vgt.f32 v18, v14;
	vm2 =	vgt.f32 v4, v17  }
0x48: {  	v10 =	vld [tilespmem:s2+$0x80];
	vm1 =	vgt.f32 v3, v5;
	v16 =	vsel vm0, v18, v14;
	v19 =	vsel vm0, s26, v13  }
0x49: {  	v13 =	vnsel vm0, s26, v13;
	v20 =	vsel vm1, v3, v5;
	v21 =	vsel vm1, v8, v6  }
0x4a: {  	v3 =	vsel vm2, v7, v9;
	v8 =	vsel vm0, v14, v18;
	vm1 =	vgt.f32 v15, v16  }
0x4b: {  	s28 =	simm.s32 $0x4;
	v7 =	vsel vm2, v9, v7;
	v6 =	vsel vm1, v15, v16;
	v9 =	vsel vm1, v16, v15  }
0x4c: {  	v15 =	vsel vm2, v4, v17;
	v4 =	vsel vm2, v17, v4;
	v16 =	vnsel vm1, s28, v19  }
0x4d: {  	v14 =	vld [tilespmem:s2+$0x100];
	v19 =	vsel vm1, s28, v19;
	vm2 =	vgt.f32 v10, v6;
	vm3 =	vgt.f32 v4, v12  }
0x4e: {  	vm4 =	vgt.f32 v8, v15;
	v17 =	vsel vm3, v3, v11;
	v18 =	vsel vm2, v10, v6  }
0x4f: {  	v10 =	vsel vm2, v6, v10;
	v22 =	vsel vm4, v8, v15;
	v23 =	vsel vm3, v4, v12  }
0x50: {  	s29 =	simm.s32 $0x5;
	v24 =	vsel vm4, v13, v7;
	v25 =	vsel vm3, v11, v3;
	v11 =	vsel vm4, v7, v13  }
0x51: {  	v3 =	vsel vm2, s29, v19;
	v8 =	vsel vm4, v15, v8;
	v4 =	vsel vm3, v12, v4  }
0x52: {  	vm1 =	vgt.f32 v14, v18;
	vm6 =	vgt.f32 v9, v22;
	vm4 =	vgt.f32 v8, v23  }
0x53: {  	v5 =	vld [tilespmem:s2+$0x180];
	vm5 =	vgt.f32 v4, v20;
	v6 =	vsel vm1, v14, v18;
	v26 =	vsel vm1, v18, v14  }
0x54: {  	s30 =	simm.s32 $0x6;
	v13 =	vsel vm6, v22, v9;
	v14 =	vnsel vm2, s29, v19;
	v15 =	vsel vm6, v24, v16  }
0x55: {  	v27 =	vnsel vm1, s30, v3;
	v9 =	vsel vm6, v9, v22;
	v12 =	vsel vm4, v8, v23  }
0x56: {  	v18 =	vsel vm4, v23, v8;
	v19 =	vsel vm4, v11, v17;
	v16 =	vsel vm6, v16, v24  }
0x57: {  	v8 =	vsel vm1, s30, v3;
	v4 =	vsel vm5, v4, v20;
	v11 =	vsel vm4, v17, v11  }
0x58: {  	v17 =	vsel vm5, v25, v21;
	vm0 =	vgt.f32 v5, v6;
	vm7 =	vgt.f32 v10, v9  }
0x59: {  	s31 =	simm.s32 $0x7;
	vm8 =	vgt.f32 v13, v12;
	vm1 =	vgt.f32 v18, v4;
	v7 =	vsel vm0, v6, v5  }
0x5a: {  	v22 =	vsel vm8, v12, v13;
	v23 =	vsel vm7, v10, v9;
	v1 =	vsel vm0, s31, v8  }
0x5b: {  	v8 =	vnsel vm0, s31, v8;
	v20 =	vsel vm8, v15, v19;
	v24 =	vsel vm7, v16, v14  }
0x5c: {  	v0 =	vld [tilespmem:$0x1FFF0];
	v13 =	vsel vm8, v13, v12;
	v4 =	vsel vm1, v18, v4;
	v28 =	vsel vm7, v9, v10  }
0x5d: {  	v29 =	vsel vm7, v14, v16;
	v10 =	vsel vm8, v19, v15;
	vm6 =	vgt.f32 v26, v23  }
0x5e: {  	vm2 =	vgt.f32 v22, v4;
	vm9 =	vgt.f32 v28, v13;
	v18 =	vsel vm6, v26, v23  }
0x5f: {  	v16 =	vsel vm9, v13, v28;
	v4 =	vsel vm2, v22, v4;
	v9 =	vsel vm9, v20, v24  }
0x60: {  	v12 =	vsel vm6, v29, v27;
	v13 =	vsel vm9, v28, v13;
	vm4 =	vgt.f32 v16, v4  }
0x61: {  	vm3 =	vgt.f32 v7, v18;
	v19 =	vsel vm4, v16, v4;
	v4 =	vsel vm6, v23, v26  }
0x62: {  	v15 =	vsel vm6, v27, v29;
	v14 =	vsel vm3, v18, v7;
	vm7 =	vgt.f32 v4, v13  }
0x63: {  	[dreg:$0x16] =	wrdreg s1;
	s0 =	sshll.u32 s1, $0x4;
	v16 =	vsel vm9, v24, v20;
	v20 =	vsel vm7, v4, v13;
	v21 =	vsel vm7, v13, v4  }
0x64: {  	[dreg:$0x15] =	wrdreg s2;
	s1 =	simm.s32 $0x8;
	s2 =	sadd.s32 $0x400, s2;
	v4 =	vld.idx.msk [tilespmem:v0+s0+$0x0 ss:$0x1], $0xffff;
	v13 =	vsel vm7, v16, v12;
	vm5 =	vgt.f32 v21, v19;
	vm6 =	vgt.f32 v14, v20  }
.LBB2_4:
0x65: {  	v22 =	vld [tilespmem:s2+$0xFFFFFE00];
	p0 =	slt.u32 s1, $0x38;
	v5 =	vsel vm0, v5, v6;
	v6 =	vsel vm3, v7, v18;
	v7 =	vsel vm3, v8, v15;
	s3 =	smov.u32 s1;
	s1 =	sadd.s32 $0x8, s1  }
0x66: {  	v11 =	vsel vm1, v11, v17;
	v12 =	vsel vm7, v12, v16;
	v8 =	vsel vm3, v15, v8  }
0x67: {  	v10 =	vsel vm2, v10, v11;
	v11 =	vsel vm6, v8, v12;
	v8 =	vsel vm6, v12, v8;
	v15 =	vld [tilespmem:s2+$0xFFFFFE80]  }
0x68: {  	v12 =	vsel vm6, v20, v14;
	v9 =	vsel vm4, v9, v10;
	v10 =	vsel vm5, v21, v19  }
0x69: {  	v9 =	vsel vm5, v13, v9;
	v13 =	vsel vm6, v14, v20;
	vm0 =	vgt.f32 v12, v10;
	v16 =	vld [tilespmem:s2+$0xFFFFFF00]  }
0x6a: {  	v10 =	vsel vm0, v12, v10;
	v8 =	vsel vm0, v8, v9;
	vm1 =	vgt.f32 v22, v5  }
0x6b: {  	v9 =	vsel vm1, v22, v5;
	v5 =	vsel vm1, v5, v22;
	v12 =	vnsel vm1, s3, v1;
	v14 =	vld [tilespmem:s2+$0xFFFFFF80]  }
0x6c: {  	v3 =	vsel vm1, s3, v1;
	vm0 =	vgt.f32 v5, v6;
	vm1 =	vgt.f32 v15, v9  }
0x6d: {  	v17 =	vsel vm0, v5, v6;
	v5 =	vsel vm0, v6, v5;
	v6 =	vsel vm0, v7, v12  }
0x6e: {  	s4 =	sadd.s32 $0x1, s3;
	v7 =	vsel vm0, v12, v7;
	v12 =	vsel vm1, v9, v15;
	vm0 =	vgt.f32 v5, v13  }
0x6f: {  	v18 =	vsel vm1, s4, v3;
	v3 =	vnsel vm1, s4, v3;
	vm2 =	vgt.f32 v12, v17  }
0x70: {  	v9 =	vsel vm1, v15, v9;
	v19 =	vsel vm0, v13, v5;
	v15 =	vsel vm2, v3, v7  }
0x71: {  	v5 =	vsel vm0, v5, v13;
	v13 =	vsel vm0, v6, v11;
	v20 =	vsel vm2, v12, v17  }
0x72: {  	s4 =	sadd.s32 $0x2, s3;
	v6 =	vsel vm0, v11, v6;
	v11 =	vsel vm2, v17, v12;
	vm0 =	vgt.f32 v16, v9  }
0x73: {  	vm1 =	vgt.f32 v19, v10;
	vm3 =	vgt.f32 v11, v5;
	v12 =	vsel vm0, s4, v18  }
0x74: {  	v10 =	vsel vm1, v19, v10;
	v6 =	vsel vm1, v6, v8;
	v8 =	vsel vm3, v11, v5;
	v17 =	vld [tilespmem:s2+$0x0]  }
0x75: {  	v3 =	vsel vm2, v7, v3;
	v7 =	vnsel vm0, s4, v18;
	v5 =	vsel vm3, v5, v11  }
0x76: {  	v18 =	vsel vm0, v16, v9;
	v11 =	vsel vm3, v3, v13;
	vm1 =	vgt.f32 v5, v10  }
0x77: {  	v9 =	vsel vm0, v9, v16;
	s4 =	sadd.s32 $0x3, s3;
	v3 =	vsel vm3, v13, v3;
	vm0 =	vgt.f32 v14, v18;
	v13 =	vld [tilespmem:s2+$0x80]  }
0x78: {  	vm2 =	vgt.f32 v9, v20;
	v16 =	vsel vm0, v14, v18;
	v19 =	vsel vm0, s4, v12  }
0x79: {  	v10 =	vsel vm1, v5, v10;
	v21 =	vsel vm1, v3, v6;
	vm1 =	vgt.f32 v17, v16  }
0x7a: {  	v14 =	vsel vm0, v18, v14;
	v12 =	vnsel vm0, s4, v12;
	v3 =	vsel vm2, v15, v7;
	v18 =	vld [tilespmem:s2+$0x100]  }
0x7b: {  	v7 =	vsel vm2, v7, v15;
	v6 =	vsel vm1, v17, v16;
	v15 =	vsel vm1, v16, v17  }
0x7c: {  	s4 =	sadd.s32 $0x4, s3;
	v16 =	vsel vm2, v9, v20;
	v9 =	vsel vm2, v20, v9;
	vm3 =	vgt.f32 v13, v6;
	v5 =	vld [tilespmem:s2+$0x180]  }
0x7d: {  	v17 =	vnsel vm1, s4, v19;
	vm2 =	vgt.f32 v9, v8;
	vm4 =	vgt.f32 v14, v16  }
0x7e: {  	v20 =	vsel vm2, v3, v11;
	v22 =	vsel vm3, v13, v6;
	v13 =	vsel vm3, v6, v13  }
0x7f: {  	v19 =	vsel vm1, s4, v19;
	v23 =	vsel vm4, v14, v16;
	vm1 =	vgt.f32 v18, v22  }
0x80: {  	v24 =	vsel vm2, v9, v8;
	v25 =	vsel vm4, v12, v7;
	v6 =	vsel vm1, v18, v22  }
0x81: {  	v26 =	vsel vm2, v11, v3;
	v22 =	vsel vm1, v22, v18;
	vm0 =	vgt.f32 v5, v6  }
0x82: {  	s4 =	sadd.s32 $0x5, s3;
	v11 =	vsel vm4, v7, v12;
	vm7 =	vgt.f32 v15, v23;
	v7 =	vsel vm0, v6, v5  }
0x83: {  	v3 =	vsel vm3, s4, v19;
	v19 =	vnsel vm3, s4, v19;
	s4 =	sadd.s32 $0x6, s3;
	v12 =	vsel vm7, v23, v15  }
0x84: {  	v14 =	vsel vm4, v16, v14;
	v16 =	vsel vm7, v25, v17;
	v27 =	vnsel vm1, s4, v3  }
0x85: {  	v9 =	vsel vm2, v8, v9;
	vm4 =	vgt.f32 v14, v24;
	v15 =	vsel vm7, v15, v23  }
0x86: {  	vm8 =	vgt.f32 v13, v15;
	v18 =	vsel vm4, v14, v24;
	v14 =	vsel vm4, v24, v14  }
0x87: {  	vm5 =	vgt.f32 v9, v10;
	v23 =	vsel vm4, v11, v20;
	vm6 =	vgt.f32 v12, v18  }
0x88: {  	s3 =	sadd.s32 $0x7, s3;
	v17 =	vsel vm7, v17, v25;
	v8 =	vsel vm1, s4, v3;
	v24 =	vsel vm6, v18, v12  }
0x89: {  	v25 =	vsel vm8, v13, v15;
	v1 =	vsel vm0, s3, v8;
	v8 =	vnsel vm0, s3, v8  }
0x8a: {  	v9 =	vsel vm5, v9, v10;
	v29 =	vsel vm8, v17, v19;
	v28 =	vsel vm6, v16, v23  }
0x8b: {  	vm1 =	vgt.f32 v14, v9;
	vm7 =	vgt.f32 v22, v25;
	v30 =	vsel vm6, v12, v18  }
0x8c: {  	v13 =	vsel vm8, v15, v13;
	v9 =	vsel vm1, v14, v9;
	v18 =	vsel vm7, v22, v25  }
0x8d: {  	vm2 =	vgt.f32 v24, v9;
	vm9 =	vgt.f32 v13, v30;
	vm3 =	vgt.f32 v7, v18  }
0x8e: {  	v15 =	vsel vm8, v19, v17;
	v17 =	vsel vm9, v30, v13;
	v14 =	vsel vm3, v18, v7  }
0x8f: {  	v12 =	vsel vm7, v15, v27;
	v19 =	vsel vm2, v24, v9;
	v9 =	vsel vm9, v28, v29  }
.Ltmp0:
0x90: {  	v11 =	vsel vm4, v20, v11;
	v10 =	vsel vm6, v23, v16;
	vm4 =	vgt.f32 v17, v19;
	(pc) =	sbr.rel @p0 .LBB2_4-.Ltmp0, $4  }
0x91: {  	v22 =	vsel vm7, v25, v22;
	v13 =	vsel vm9, v13, v30;
	v19 =	vsel vm4, v17, v19  }
0x92: {  	v15 =	vsel vm7, v27, v15;
	v16 =	vsel vm9, v29, v28;
	vm7 =	vgt.f32 v22, v13  }
0x93: {  	v17 =	vsel vm5, v26, v21;
	v20 =	vsel vm7, v22, v13;
	v21 =	vsel vm7, v13, v22  }
0x94: {  	s2 =	sadd.s32 $0x400, s2;
	v13 =	vsel vm7, v16, v12;
	vm5 =	vgt.f32 v21, v19;
	vm6 =	vgt.f32 v14, v20  }
0x95: {  	v5 =	vsel vm0, v5, v6  }
0x96: {  	v6 =	vsel vm3, v7, v18;
	v7 =	vsub.f32 v5, v5  }
0x97: {  	v18 =	vsel vm5, v21, v19;
	v6 =	vsub.f32 v6, v5  }
0x98: {  	v19 =	vsel vm6, v20, v14;
	v52 =	vsel vm6, v14, v20;
	v7 =	vmul.f32 $1.442695020e+00, v7  }
0x99: {  	vm15 =	vgt.f32 v19, v18;
	v14 =	vsub.f32 v52, v5;
	v6 =	vmul.f32 $1.442695020e+00, v6  }
0x9a: {  	v18 =	vsel vm15, v19, v18;
	(erf) = vpow2.f32 v7  }
0x9b: {  	v5 =	vsub.f32 v18, v5;
	(erf) = vpow2.f32 v6;
	v6 =	vmul.f32 $1.442695020e+00, v14;
	_ =	sdelay $0x1  }
0x9c: {  	v5 =	vmul.f32 $1.442695020e+00, v5;
	(erf) = vpow2.f32 v6;
	_ =	sdelay $0x1  }
0x9d: {  	(erf) = vpow2.f32 v5;
	_ =	sdelay $0x3  }
0x9e: {  	v6 =	vpop (erf)  }
0x9f: {  	v7 =	vpop (erf)  }
0xa0: {  	v5 =	vadd.f32 v7, v6  }
0xa1: {  	v53 =	vpop (erf)  }
0xa2: {  	v5 =	vadd.f32 v53, v5  }
0xa3: {  	v18 =	vpop (erf)  }
0xa4: {  	v5 =	vadd.f32 v18, v5;
	_ =	sdelay $0x1  }
0xa5: {  	(erf) = vrcp.f32 v5;
	_ =	sdelay $0x2  }
0xa6: {  	v19 =	vshll.u32 v4, $0x7;
	v5 =	vand.u32 $0xFFFFFF80, v1  }
0xa7: {  	v4 =	vand.u32 $0x7F, v1;
	v5 =	vadd.s32 v19, v5  }
0xa8: {  	v20 =	vor.u32 v4, v5  }
0xa9: {  	v0 =	vlaneseq.u32  }
0xaa: {  	v2 =	vsel vm3, v8, v15;
	v0 =	vor.u32 s0, v0  }
0xab: {  	s2 =	simm.s32 $0x4800;
	v22 =	vand.u32 $0xFFFFFF80, v2;
	v21 =	vshll.u32 v0, $0x2  }
0xac: {  	s23 =	simm.s32 $0x4000;
	v24 =	vld.idx.msk [tilespmem:v1+s2+$0x0], $0xffff;
	v25 =	vand.u32 $0x7F, v2;
	v22 =	vadd.s32 v19, v22;
	v23 =	vpop (erf)  }
0xad: {  	s1 =	simm.s32 $0x4400;
	v22 =	vor.u32 v25, v22;
	v27 =	vld.idx.msk [tilespmem:v20+s23+$0x0], $0xffff;
	v26 =	vmul.f32 v23, v6  }
0xae: {  	v12 =	vsel vm7, v12, v16;
	v54 =	vsel vm3, v15, v8;
	s3 =	simm.s32 $0x8C80;
	v15 =	vld.idx.msk [tilespmem:v20+s1+$0x0], $0xffff  }
0xaf: {  	s10 =	simm.s32 $0x8A80;
	v3 =	vsel vm6, v54, v12;
	[tilespmem:v1+s3+$0x0] =	vst.idx.add.f32.msk $0xffff, v26  }
0xb0: {  	v11 =	vsel vm1, v11, v17;
	v17 =	vand.u32 $0xFFFFFF80, v3;
	v16 =	vor.u32 $0x1, v21;
	[tilespmem:v21+s10+$0x0] =	vst.idx.msk $0xffff, v26  }
0xb1: {  	v17 =	vadd.s32 v19, v17;
	v20 =	vand.u32 $0x7F, v3;
	v55 =	vld.idx.msk [tilespmem:v2+s2+$0x0], $0xffff  }
0xb2: {  	v10 =	vsel vm2, v10, v11;
	v17 =	vor.u32 v20, v17;
	v56 =	vmul.f32 v23, v7;
	v25 =	vld.idx.msk [tilespmem:v22+s23+$0x0], $0xffff  }
0xb3: {  	v9 =	vsel vm4, v9, v10;
	v58 =	vld.idx.msk [tilespmem:v22+s1+$0x0], $0xffff  }
0xb4: {  	v57 =	vsel vm5, v13, v9;
	v7 =	vsel vm6, v12, v54;
	[tilespmem:v2+s3+$0x0] =	vst.idx.add.f32.msk $0xffff, v56  }
0xb5: {  	v59 =	vor.u32 $0x2, v21;
	v4 =	vsel vm15, v7, v57;
	[tilespmem:v16+s10+$0x0] =	vst.idx.msk $0xffff, v56  }
0xb6: {  	v60 =	vand.u32 $0xFFFFFF80, v4;
	v61 =	vld.idx.msk [tilespmem:v3+s2+$0x0], $0xffff  }
0xb7: {  	v14 =	vmul.f32 v23, v53;
	v9 =	vadd.s32 v19, v60;
	v16 =	vand.u32 $0x7F, v4;
	v19 =	vld.idx.msk [tilespmem:v17+s23+$0x0], $0xffff  }
0xb8: {  	v9 =	vor.u32 v16, v9;
	v16 =	vld.idx.msk [tilespmem:v17+s1+$0x0], $0xffff  }
0xb9: {  	[tilespmem:v3+s3+$0x0] =	vst.idx.add.f32.msk $0xffff, v14  }
0xba: {  	[tilespmem:v59+s10+$0x0] =	vst.idx.msk $0xffff, v14  }
0xbb: {  	s5 =	simm.s32 $0x40;
	v17 =	vld.idx.msk [tilespmem:v4+s2+$0x0], $0xffff  }
0xbc: {  	s6 =	simm.s32 $0x80;
	s11 =	simm.s32 $0xC0;
	s9 =	simm.s32 $0x100;
	v28 =	vadd.s32 s5, v1  }
0xbd: {  	s7 =	simm.s32 $0x140;
	v29 =	vadd.s32 s6, v1;
	v31 =	vadd.s32 s11, v1;
	v32 =	vadd.s32 s9, v1  }
0xbe: {  	s25 =	simm.s32 $0x180;
	s26 =	simm.s32 $0x380;
	s28 =	simm.s32 $0x0;
	v33 =	vadd.s32 s7, v1;
	v18 =	vmul.f32 v23, v18;
	v20 =	vmul.f32 v24, v26  }
0xbf: {  	v34 =	vadd.s32 s25, v1;
	v35 =	vadd.s32 s26, v2;
	v36 =	vadd.s32 s28, v1  }
0xc0: {  	s24 =	simm.s32 $0x3C0;
	v6 =	vmul.f32 v15, v20;
	v15 =	vmul.f32 v17, v18;
	v17 =	vor.u32 $0x3, v21  }
0xc1: {  	s30 =	simm.s32 $0x200;
	s31 =	simm.s32 $0x240;
	v37 =	vadd.s32 s28, v2;
	v5 =	vmul.f32 v27, v20;
	v20 =	vadd.s32 s24, v1  }
0xc2: {  	v40 =	vadd.s32 s30, v1;
	v41 =	vadd.s32 s31, v1;
	v22 =	vld.idx.msk [tilespmem:v9+s23+$0x0], $0xffff;
	v21 =	vadd.s32 s26, v1  }
0xc3: {  	s12 =	simm.s32 $0x2C0;
	s13 =	simm.s32 $0x300;
	v43 =	vadd.s32 s5, v2;
	v44 =	vadd.s32 s6, v2;
	v47 =	vadd.s32 s11, v2;
	v23 =	vld.idx.msk [tilespmem:v9+s1+$0x0], $0xffff  }
0xc4: {  	s14 =	simm.s32 $0x340;
	v48 =	vadd.s32 s12, v1;
	v49 =	vadd.s32 s13, v1;
	v30 =	vadd.s32 s24, v3;
	[tilespmem:v4+s3+$0x0] =	vst.idx.add.f32.msk $0xffff, v18  }
0xc5: {  	v50 =	vadd.s32 s14, v1;
	v51 =	vadd.s32 s9, v2;
	v38 =	vadd.s32 s26, v3;
	[tilespmem:v17+s10+$0x0] =	vst.idx.msk $0xffff, v18  }
0xc6: {  	s29 =	simm.s32 $0x1C0;
	v52 =	vadd.s32 s7, v2;
	v27 =	vadd.s32 s24, v4;
	v11 =	vmul.f32 v55, v56;
	v17 =	vld.idx.msk [tilespmem:v20+s16+$0x0], $0xffff  }
0xc7: {  	v53 =	vadd.s32 s25, v2;
	v54 =	vadd.s32 s29, v2;
	v39 =	vadd.s32 s26, v4;
	v45 =	vld.idx.msk [tilespmem:v21+s16+$0x0], $0xffff  }
0xc8: {  	v57 =	vadd.s32 s30, v2;
	v7 =	vmul.f32 v25, v11;
	v13 =	vmul.f32 v61, v14;
	v35 =	vld.idx.msk [tilespmem:v35+s16+$0x0], $0xffff  }
0xc9: {  	v8 =	vmul.f32 v58, v11;
	v11 =	vmul.f32 v22, v15;
	v22 =	vadd.s32 s24, v2;
	v30 =	vld.idx.msk [tilespmem:v30+s16+$0x0], $0xffff  }
0xca: {  	s4 =	simm.s32 $0x700;
	v24 =	vadd.s32 s6, v3;
	v26 =	vadd.s32 s5, v3;
	v25 =	vadd.s32 s11, v3;
	v38 =	vld.idx.msk [tilespmem:v38+s16+$0x0], $0xffff  }
0xcb: {  	v9 =	vmul.f32 v19, v13;
	v10 =	vmul.f32 v16, v13;
	v16 =	vor.u32 s4, v0;
	v27 =	vld.idx.msk [tilespmem:v27+s16+$0x0], $0xffff  }
0xcc: {  	v19 =	vadd.s32 s28, v4;
	v12 =	vmul.f32 v23, v15;
	v39 =	vld.idx.msk [tilespmem:v39+s16+$0x0], $0xffff;
	v55 =	vmul.f32 v45, v5  }
0xcd: {  	v23 =	vadd.s32 s28, v3;
	v36 =	vld.idx.msk [tilespmem:v36+s16+$0x0], $0xffff;
	v56 =	vmul.f32 v17, v6;
	v45 =	vmul.f32 v45, v6  }
0xce: {  	s10 =	simm.s32 $0x280;
	v18 =	vadd.s32 s29, v1;
	v46 =	vld.idx.msk [tilespmem:v22+s16+$0x0], $0xffff;
	v17 =	vmul.f32 v17, v5;
	v62 =	vmul.f32 v35, v7  }
0xcf: {  	v42 =	vadd.s32 s10, v1;
	v28 =	vld.idx.msk [tilespmem:v28+s16+$0x0], $0xffff;
	v35 =	vmul.f32 v35, v8;
	v13 =	vmul.f32 v30, v10  }
0xd0: {  	v20 =	vadd.s32 s6, v4;
	v29 =	vld.idx.msk [tilespmem:v29+s16+$0x0], $0xffff;
	v14 =	vmul.f32 v38, v9;
	v30 =	vmul.f32 v30, v9  }
0xd1: {  	v21 =	vadd.s32 s11, v4;
	v31 =	vld.idx.msk [tilespmem:v31+s16+$0x0], $0xffff;
	[tilespmem:$0x1FF20] =	vst v2;
	v38 =	vmul.f32 v38, v10;
	v60 =	vmul.f32 v27, v12  }
0xd2: {  	v22 =	vadd.s32 s5, v4;
	v32 =	vld.idx.msk [tilespmem:v32+s16+$0x0], $0xffff;
	v61 =	vmul.f32 v39, v11;
	v27 =	vmul.f32 v27, v11  }
0xd3: {  	v39 =	vmul.f32 v39, v12;
	v55 =	vsub.f32 v55, v56;
	v58 =	vmul.f32 v46, v8  }
0xd4: {  	v17 =	vadd.f32 v17, v45;
	v63 =	vmul.f32 v46, v7;
	v46 =	vadd.s32 s31, v2  }
0xd5: {  	v45 =	vsub.f32 v14, v13;
	v30 =	vadd.f32 v30, v38;
	v38 =	vadd.s32 s12, v2  }
0xd6: {  	v39 =	vadd.f32 v27, v39;
	v27 =	vadd.s32 s9, v3;
	v13 =	vmul.f32 v31, v6  }
0xd7: {  	v33 =	vld.idx.msk [tilespmem:v33+s16+$0x0], $0xffff;
	v31 =	vmul.f32 v31, v5;
	v14 =	vmul.f32 v32, v5;
	v55 =	vadd.f32 $0.0e+00, v55  }
0xd8: {  	v32 =	vmul.f32 v32, v6;
	v56 =	vsub.f32 v62, v58;
	v35 =	vadd.f32 v63, v35  }
0xd9: {  	v17 =	vadd.f32 $0.0e+00, v17;
	v62 =	vmul.f32 v36, v5;
	v63 =	vmul.f32 v28, v6  }
0xda: {  	v41 =	vld.idx.msk [tilespmem:v41+s16+$0x0], $0xffff;
	v36 =	vmul.f32 v36, v6;
	v28 =	vmul.f32 v28, v5;
	v55 =	vadd.f32 v56, v55  }
0xdb: {  	v58 =	vadd.s32 s14, v2;
	v17 =	vadd.f32 v35, v17;
	v35 =	vsub.f32 v61, v60  }
0xdc: {  	v59 =	vld.idx.msk [tilespmem:v18+s16+$0x0], $0xffff;
	v28 =	vadd.f32 v28, v36;
	v60 =	vmul.f32 v33, v6;
	v33 =	vmul.f32 v33, v5  }
0xdd: {  	v42 =	vld.idx.msk [tilespmem:v42+s16+$0x0], $0xffff;
	v56 =	vadd.s32 s10, v2;
	v45 =	vadd.f32 v45, v55;
	v30 =	vadd.f32 v30, v17  }
0xde: {  	v61 =	vld.idx.msk [tilespmem:v48+s16+$0x0], $0xffff;
	v55 =	vadd.s32 s13, v2;
	v36 =	vsub.f32 v14, v60;
	v32 =	vadd.f32 v33, v32  }
0xdf: {  	v48 =	vld.idx.msk [tilespmem:v49+s16+$0x0], $0xffff;
	v14 =	vmul.f32 v41, v6;
	v41 =	vmul.f32 v41, v5;
	v17 =	vadd.f32 v35, v45  }
0xe0: {  	v34 =	vld.idx.msk [tilespmem:v34+s16+$0x0], $0xffff;
	v18 =	vadd.f32 v39, v30;
	v30 =	vmul.f32 v29, v5;
	v29 =	vmul.f32 v29, v6  }
0xe1: {  	v35 =	vsub.f32 v62, v63;
	v62 =	vmul.f32 v59, v6;
	v63 =	vmul.f32 v59, v5  }
0xe2: {  	v47 =	vld.idx.msk [tilespmem:v47+s16+$0x0], $0xffff;
	v28 =	vadd.f32 $0.0e+00, v28;
	v59 =	vmul.f32 v42, v5;
	v42 =	vmul.f32 v42, v6  }
0xe3: {  	v49 =	vld.idx.msk [tilespmem:v50+s16+$0x0], $0xffff;
	v36 =	vadd.f32 $0.0e+00, v36;
	v60 =	vmul.f32 v61, v6;
	v45 =	vmul.f32 v61, v5  }
0xe4: {  	v37 =	vld.idx.msk [tilespmem:v37+s16+$0x0], $0xffff;
	v32 =	vadd.f32 $0.0e+00, v32;
	v61 =	vmul.f32 v48, v5;
	v48 =	vmul.f32 v48, v6  }
0xe5: {  	v30 =	vsub.f32 v30, v13;
	v29 =	vadd.f32 v31, v29;
	v31 =	vmul.f32 v34, v5  }
0xe6: {  	v39 =	vld.idx.msk [tilespmem:v40+s16+$0x0], $0xffff;
	v34 =	vmul.f32 v34, v6;
	v35 =	vadd.f32 $0.0e+00, v35;
	v40 =	vsub.f32 v59, v60  }
0xe7: {  	v42 =	vadd.f32 v45, v42;
	v60 =	vmul.f32 v47, v8;
	v47 =	vmul.f32 v47, v7  }
0xe8: {  	v43 =	vld.idx.msk [tilespmem:v43+s16+$0x0], $0xffff;
	v59 =	vadd.s32 s12, v4;
	v31 =	vsub.f32 v31, v62;
	v62 =	vmul.f32 v49, v6  }
0xe9: {  	v44 =	vld.idx.msk [tilespmem:v44+s16+$0x0], $0xffff;
	v34 =	vadd.f32 v63, v34;
	v49 =	vmul.f32 v49, v5;
	v63 =	vmul.f32 v37, v7  }
0xea: {  	v51 =	vld.idx.msk [tilespmem:v51+s16+$0x0], $0xffff;
	[tilespmem:$0x1FF30] =	vst v6;
	v37 =	vmul.f32 v37, v8;
	v30 =	vadd.f32 $0.0e+00, v30;
	v29 =	vadd.f32 $0.0e+00, v29  }
0xeb: {  	v52 =	vld.idx.msk [tilespmem:v52+s16+$0x0], $0xffff;
	v13 =	vmul.f32 v39, v5;
	v40 =	vadd.f32 $0.0e+00, v40;
	v42 =	vadd.f32 $0.0e+00, v42  }
0xec: {  	[tilespmem:$0x1FF40] =	vst v5;
	v39 =	vmul.f32 v39, v6;
	v48 =	vadd.f32 v49, v48;
	v31 =	vadd.f32 $0.0e+00, v31  }
0xed: {  	v53 =	vld.idx.msk [tilespmem:v53+s16+$0x0], $0xffff;
	v34 =	vadd.f32 $0.0e+00, v34;
	v33 =	vsub.f32 v13, v14;
	v13 =	vmul.f32 v43, v8  }
0xee: {  	v54 =	vld.idx.msk [tilespmem:v54+s16+$0x0], $0xffff;
	v39 =	vadd.f32 v41, v39;
	v43 =	vmul.f32 v43, v7;
	v14 =	vmul.f32 v44, v7  }
0xef: {  	v57 =	vld.idx.msk [tilespmem:v57+s16+$0x0], $0xffff;
	v41 =	vsub.f32 v61, v62;
	v44 =	vmul.f32 v44, v8;
	v61 =	vmul.f32 v51, v7  }
0xf0: {  	v46 =	vld.idx.msk [tilespmem:v46+s16+$0x0], $0xffff;
	v62 =	vmul.f32 v52, v8;
	v51 =	vmul.f32 v51, v8;
	v48 =	vadd.f32 $0.0e+00, v48  }
0xf1: {  	v52 =	vmul.f32 v52, v7;
	v45 =	vsub.f32 v63, v13;
	v37 =	vadd.f32 v43, v37  }
0xf2: {  	v38 =	vld.idx.msk [tilespmem:v38+s16+$0x0], $0xffff;
	v49 =	vsub.f32 v14, v60;
	v44 =	vadd.f32 v47, v44;
	v63 =	vmul.f32 v53, v7  }
0xf3: {  	v50 =	vsub.f32 v61, v62;
	v13 =	vmul.f32 v54, v8;
	v53 =	vmul.f32 v53, v8  }
0xf4: {  	v58 =	vld.idx.msk [tilespmem:v58+s16+$0x0], $0xffff;
	v54 =	vmul.f32 v54, v7;
	v51 =	vadd.f32 v52, v51;
	v14 =	vmul.f32 v57, v7  }
0xf5: {  	v60 =	vmul.f32 v46, v8;
	v57 =	vmul.f32 v57, v8;
	v33 =	vadd.f32 $0.0e+00, v33  }
0xf6: {  	v46 =	vmul.f32 v46, v7;
	v39 =	vadd.f32 $0.0e+00, v39;
	v41 =	vadd.f32 $0.0e+00, v41  }
0xf7: {  	v47 =	vld.idx.msk [tilespmem:v55+s16+$0x0], $0xffff;
	v62 =	vmul.f32 v38, v8;
	v55 =	vsub.f32 v63, v13;
	v53 =	vadd.f32 v54, v53  }
0xf8: {  	v43 =	vld.idx.msk [tilespmem:v56+s16+$0x0], $0xffff;
	v38 =	vmul.f32 v38, v7;
	v52 =	vsub.f32 v14, v60;
	v46 =	vadd.f32 v46, v57  }
0xf9: {  	[tilespmem:$0x1FF50] =	vst v8;
	v13 =	vmul.f32 v58, v8;
	v58 =	vmul.f32 v58, v7;
	v35 =	vadd.f32 v45, v35  }
0xfa: {  	[tilespmem:$0x1FF60] =	vst v7;
	v14 =	vadd.s32 s7, v3;
	v28 =	vadd.f32 v37, v28;
	v30 =	vadd.f32 v49, v30  }
0xfb: {  	v23 =	vld.idx.msk [tilespmem:v23+s16+$0x0], $0xffff;
	v60 =	vadd.s32 s25, v3;
	v29 =	vadd.f32 v44, v29;
	v36 =	vadd.f32 v50, v36  }
0xfc: {  	v26 =	vld.idx.msk [tilespmem:v26+s16+$0x0], $0xffff;
	v32 =	vadd.f32 v51, v32;
	v51 =	vadd.s32 s12, v3;
	v57 =	vadd.s32 s10, v4  }
0xfd: {  	v31 =	vadd.f32 v55, v31;
	v34 =	vadd.f32 v53, v34;
	v53 =	vadd.s32 s13, v3  }
0xfe: {  	v24 =	vld.idx.msk [tilespmem:v24+s16+$0x0], $0xffff;
	v33 =	vadd.f32 v52, v33;
	v61 =	vmul.f32 v43, v7;
	v63 =	vmul.f32 v47, v7  }
0xff: {  	v25 =	vld.idx.msk [tilespmem:v25+s16+$0x0], $0xffff;
	[tilespmem:$0x1FF70] =	vst v3;
	v52 =	vadd.s32 s14, v3;
	v39 =	vadd.f32 v46, v39;
	v43 =	vmul.f32 v43, v8  }
0x100: {  	v47 =	vmul.f32 v47, v8;
	v54 =	vsub.f32 v61, v62;
	v56 =	vsub.f32 v63, v13;
	v13 =	vld.idx.msk [tilespmem:v14+s16+$0x0], $0xffff  }
0x101: {  	v61 =	vadd.s32 s29, v3;
	v14 =	vmul.f32 v23, v9;
	v37 =	vld.idx.msk [tilespmem:v60+s16+$0x0], $0xffff;
	v60 =	vmul.f32 v26, v10  }
0x102: {  	v27 =	vld.idx.msk [tilespmem:v27+s16+$0x0], $0xffff;
	v62 =	vadd.s32 s30, v3;
	v23 =	vmul.f32 v23, v10;
	v26 =	vmul.f32 v26, v9  }
0x103: {  	v8 =	vadd.s32 s10, v3;
	v38 =	vadd.f32 v38, v43;
	v47 =	vadd.f32 v58, v47;
	v51 =	vld.idx.msk [tilespmem:v51+s16+$0x0], $0xffff  }
0x104: {  	v63 =	vadd.s32 s31, v3;
	v40 =	vadd.f32 v54, v40;
	v23 =	vadd.f32 v26, v23;
	v26 =	vld.idx.msk [tilespmem:v53+s16+$0x0], $0xffff  }
0x105: {  	v43 =	vadd.s32 s9, v4;
	v38 =	vadd.f32 v38, v42;
	v41 =	vadd.f32 v56, v41;
	v52 =	vld.idx.msk [tilespmem:v52+s16+$0x0], $0xffff  }
0x106: {  	v58 =	vadd.s32 s7, v4;
	v54 =	vsub.f32 v14, v60;
	v47 =	vadd.f32 v47, v48;
	v45 =	vld.idx.msk [tilespmem:v61+s16+$0x0], $0xffff  }
0x107: {  	v56 =	vadd.s32 s30, v4;
	v42 =	vld.idx.msk [tilespmem:v62+s16+$0x0], $0xffff;
	v61 =	vmul.f32 v24, v9;
	v62 =	vmul.f32 v25, v10  }
0x108: {  	v50 =	vld.idx.msk [tilespmem:v8+s16+$0x0], $0xffff;
	v35 =	vadd.f32 v54, v35;
	v24 =	vmul.f32 v24, v10;
	v25 =	vmul.f32 v25, v9  }
0x109: {  	v23 =	vadd.f32 v23, v28;
	v49 =	vld.idx.msk [tilespmem:v63+s16+$0x0], $0xffff;
	v63 =	vmul.f32 v27, v9;
	v8 =	vmul.f32 v13, v10  }
0x10a: {  	v28 =	vadd.s32 s31, v4;
	s31 =	simm.s32 $0x680;
	v27 =	vmul.f32 v27, v10;
	v46 =	vmul.f32 v13, v9  }
0x10b: {  	v13 =	vmul.f32 v37, v9;
	v37 =	vmul.f32 v37, v10;
	v2 =	vor.u32 s31, v0  }
0x10c: {  	v48 =	vsub.f32 v63, v8;
	v63 =	vmul.f32 v26, v9;
	v8 =	vmul.f32 v52, v10  }
0x10d: {  	[tilespmem:$0x1FF80] =	vst v10;
	v44 =	vsub.f32 v61, v62;
	v26 =	vmul.f32 v26, v10;
	v52 =	vmul.f32 v52, v9  }
0x10e: {  	[tilespmem:$0x1FF90] =	vst v9;
	v24 =	vadd.f32 v25, v24;
	v27 =	vadd.f32 v46, v27;
	v62 =	vmul.f32 v51, v10  }
0x10f: {  	v19 =	vld.idx.msk [tilespmem:v19+s16+$0x0], $0xffff;
	v51 =	vmul.f32 v51, v9;
	v61 =	vmul.f32 v50, v9;
	v26 =	vadd.f32 v52, v26  }
0x110: {  	v20 =	vld.idx.msk [tilespmem:v20+s16+$0x0], $0xffff;
	v50 =	vmul.f32 v50, v10;
	v30 =	vadd.f32 v44, v30;
	v29 =	vadd.f32 v24, v29  }
0x111: {  	v36 =	vadd.f32 v48, v36;
	v14 =	vmul.f32 v45, v10;
	v45 =	vmul.f32 v45, v9  }
0x112: {  	v27 =	vadd.f32 v27, v32;
	v25 =	vmul.f32 v42, v9;
	v60 =	vmul.f32 v49, v10  }
0x113: {  	v42 =	vmul.f32 v42, v10;
	v49 =	vmul.f32 v49, v9;
	v46 =	vsub.f32 v61, v62  }
0x114: {  	v22 =	vld.idx.msk [tilespmem:v22+s16+$0x0], $0xffff;
	v50 =	vadd.f32 v51, v50;
	v61 =	vadd.s32 s14, v4;
	v24 =	vmul.f32 v19, v11  }
0x115: {  	v19 =	vmul.f32 v19, v12;
	v10 =	vmul.f32 v20, v11;
	v53 =	vsub.f32 v13, v14  }
0x116: {  	v21 =	vld.idx.msk [tilespmem:v21+s16+$0x0], $0xffff;
	v20 =	vmul.f32 v20, v12;
	v37 =	vadd.f32 v45, v37;
	v25 =	vsub.f32 v25, v60  }
0x117: {  	v42 =	vadd.f32 v49, v42;
	v14 =	vadd.s32 s29, v4;
	v45 =	vsub.f32 v63, v8;
	v60 =	vld.idx.msk [tilespmem:v43+s16+$0x0], $0xffff;
	[tilespmem:$0x1FFA0] =	vst v4  }
0x118: {  	v13 =	vadd.s32 s25, v4;
	v40 =	vadd.f32 v46, v40;
	v38 =	vadd.f32 v50, v38;
	v62 =	vld.idx.msk [tilespmem:v58+s16+$0x0], $0xffff  }
0x119: {  	v8 =	vmul.f32 v22, v12;
	v28 =	vld.idx.msk [tilespmem:v28+s16+$0x0], $0xffff;
	v31 =	vadd.f32 v53, v31;
	v32 =	vadd.f32 v37, v34  }
0x11a: {  	v22 =	vmul.f32 v22, v11;
	v44 =	vld.idx.msk [tilespmem:v57+s16+$0x0], $0xffff;
	v37 =	vadd.f32 v25, v33;
	v39 =	vadd.f32 v42, v39  }
0x11b: {  	v25 =	vadd.s32 s13, v4;
	v41 =	vadd.f32 v45, v41;
	v48 =	vsub.f32 v24, v8;
	v34 =	vld.idx.msk [tilespmem:v59+s16+$0x0], $0xffff  }
0x11c: {  	s17 =	simm.s32 $0x0;
	v24 =	vadd.f32 v26, v47;
	v19 =	vadd.f32 v22, v19;
	v9 =	vld.idx.msk [tilespmem:v14+s16+$0x0], $0xffff;
	v14 =	vmul.f32 v21, v12  }
0x11d: {  	v42 =	vld.idx.msk [tilespmem:v61+s16+$0x0], $0xffff;
	v61 =	vor.u32 s17, v0;
	v21 =	vmul.f32 v21, v11;
	v26 =	vmul.f32 v60, v11  }
0x11e: {  	v35 =	vadd.f32 v48, v35;
	v33 =	vmul.f32 v60, v12;
	v22 =	vmul.f32 v62, v12  }
0x11f: {  	s15 =	simm.s32 $0x780;
	v19 =	vadd.f32 v19, v23;
	v63 =	vld.idx.msk [tilespmem:v13+s16+$0x0], $0xffff;
	v43 =	vmul.f32 v62, v11;
	v55 =	vmul.f32 v28, v12  }
0x120: {  	v13 =	vld.idx.msk [tilespmem:v56+s16+$0x0], $0xffff;
	v60 =	vor.u32 s15, v0;
	v28 =	vmul.f32 v28, v11;
	v56 =	vmul.f32 v44, v11  }
0x121: {  	v44 =	vmul.f32 v44, v12;
	v45 =	vsub.f32 v10, v14;
	v25 =	vld.idx.msk [tilespmem:v25+s16+$0x0], $0xffff;
	v20 =	vadd.f32 v21, v20  }
0x122: {  	v57 =	vmul.f32 v34, v12;
	v34 =	vmul.f32 v34, v11;
	[tilespmem:$0x1FFB0] =	vst v12;
	v22 =	vsub.f32 v26, v22  }
0x123: {  	s18 =	simm.s32 $0x80;
	[tilespmem:$0x1FFC0] =	vst v11;
	v33 =	vadd.f32 v43, v33;
	v59 =	vmul.f32 v42, v12;
	v42 =	vmul.f32 v42, v11  }
0x124: {  	v62 =	vor.u32 s18, v0;
	[tilespmem:v16+s8+$0x0] =	vst.idx.msk $0xffff, v17;
	v47 =	vsub.f32 v56, v57;
	v44 =	vadd.f32 v34, v44  }
0x125: {  	s20 =	simm.s32 $0x180;
	v23 =	vadd.f32 v45, v30;
	v16 =	vadd.f32 v20, v29;
	v54 =	vmul.f32 v63, v11  }
0x126: {  	s19 =	simm.s32 $0x100;
	v20 =	vor.u32 s20, v0;
	v21 =	vmul.f32 v9, v12;
	v46 =	vmul.f32 v63, v12  }
0x127: {  	s21 =	simm.s32 $0x200;
	[tilespmem:v61+s8+$0x0] =	vst.idx.msk $0xffff, v35;
	v49 =	vmul.f32 v9, v11;
	v26 =	vmul.f32 v13, v11;
	v63 =	vor.u32 s19, v0  }
0x128: {  	v36 =	vadd.f32 v22, v36;
	[tilespmem:v60+s8+$0x0] =	vst.idx.msk $0xffff, v18;
	v34 =	vadd.f32 v33, v27;
	v18 =	vor.u32 s21, v0  }
0x129: {  	v50 =	vmul.f32 v13, v12;
	v22 =	vadd.f32 v47, v40;
	v21 =	vsub.f32 v54, v21  }
0x12a: {  	s30 =	simm.s32 $0x600;
	v46 =	vadd.f32 v49, v46;
	v58 =	vmul.f32 v25, v11;
	v25 =	vmul.f32 v25, v12  }
0x12b: {  	s22 =	simm.s32 $0x280;
	v4 =	vor.u32 s30, v0;
	[tilespmem:v62+s8+$0x0] =	vst.idx.msk $0xffff, v19;
	v26 =	vsub.f32 v26, v55;
	v28 =	vadd.f32 v28, v50  }
0x12c: {  	s23 =	simm.s32 $0x300;
	v17 =	vor.u32 s22, v0;
	v43 =	vsub.f32 v58, v59;
	v25 =	vadd.f32 v42, v25;
	[tilespmem:v63+s8+$0x0] =	vst.idx.msk $0xffff, v23  }
0x12d: {  	s25 =	simm.s32 $0x400;
	v29 =	vor.u32 s23, v0;
	v33 =	vadd.f32 v21, v31;
	v32 =	vadd.f32 v46, v32;
	[tilespmem:v18+s8+$0x0] =	vst.idx.msk $0xffff, v36  }
0x12e: {  	s26 =	simm.s32 $0x480;
	s24 =	simm.s32 $0x380;
	s29 =	simm.s32 $0x580;
	v27 =	vor.u32 s25, v0;
	v30 =	vadd.f32 v26, v37;
	v31 =	vadd.f32 v28, v39;
	[tilespmem:v20+s8+$0x0] =	vst.idx.msk $0xffff, v16  }
0x12f: {  	s28 =	simm.s32 $0x500;
	v28 =	vor.u32 s24, v0;
	v26 =	vor.u32 s26, v0;
	v21 =	vor.u32 s29, v0;
	[tilespmem:$0x1FFD0] =	vst v0  }
0x130: {  	s0 =	simm.s32 $0xF;
	s1 =	simm.s32 $0x7C0;
	s4 =	simm.s32 $0x0;
	v23 =	vadd.f32 v44, v38;
	v20 =	vor.u32 s28, v0;
	v3 =	vadd.f32 v43, v41;
	[tilespmem:$0x1FFE0] =	vst v1  }
.LBB2_6:
0x131: {  	v0 =	vadd.f32 v25, v24  }
0x132: {  	v45 =	vld [tilespmem:$0x1FFA0]  }
0x133: {  	[tilespmem:$0x1FD70] =	vst v0;
	v0 =	vld [tilespmem:$0x1FF20];
	_ =	sdelay $0x1  }
0x134: {  	[tilespmem:$0x1FCC0] =	vst v4  }
0x135: {  	[tilespmem:v17+s8+$0x0] =	vst.idx.msk $0xffff, v34;
	v25 =	vadd.s32 s1, v1  }
0x136: {  	[tilespmem:v29+s8+$0x0] =	vst.idx.msk $0xffff, v33;
	v35 =	vadd.s32 s1, v45  }
0x137: {  	v4 =	vld [tilespmem:$0x1FF70];
	s2 =	sadd.s32 $0xFFFFFFC0, s1;
	[tilespmem:v27+s8+$0x0] =	vst.idx.msk $0xffff, v30;
	v27 =	vadd.s32 s1, v0  }
0x138: {  	s24 =	sadd.s32 $0xFFFFFC80, s1;
	s14 =	sadd.s32 $0xFFFFFC40, s1;
	v9 =	vld [tilespmem:$0x1FFB0];
	[tilespmem:v26+s8+$0x0] =	vst.idx.msk $0xffff, v31;
	v26 =	vadd.s32 s2, v0  }
0x139: {  	s30 =	sadd.s32 $0xFFFFFCC0, s1;
	s31 =	sadd.s32 $0xFFFFFD40, s1;
	s22 =	sadd.s32 $0xFFFFFD80, s1;
	v14 =	vld [tilespmem:$0x1FF40];
	[tilespmem:v28+s8+$0x0] =	vst.idx.msk $0xffff, v32;
	v28 =	vadd.s32 s2, v1;
	v50 =	vadd.s32 s14, v0;
	v54 =	vadd.s32 s24, v0  }
0x13a: {  	s18 =	sadd.s32 $0xFFFFFDC0, s1;
	s19 =	sadd.s32 $0xFFFFFE00, s1;
	s26 =	sadd.s32 $0xFFFFFE40, s1;
	v55 =	vadd.s32 s30, v0;
	v34 =	vadd.s32 s31, v0;
	v33 =	vadd.s32 s22, v0;
	v52 =	vld.idx.msk [tilespmem:v25+s16+$0x0], $0xffff  }
0x13b: {  	s23 =	sadd.s32 $0xFFFFFD00, s1;
	s17 =	sadd.s32 $0xFFFFFE80, s1;
	s28 =	sadd.s32 $0xFFFFFEC0, s1;
	v32 =	vadd.s32 s18, v0;
	v31 =	vadd.s32 s19, v0;
	v12 =	vadd.s32 s26, v0;
	v46 =	vld.idx.msk [tilespmem:v35+s16+$0x0], $0xffff  }
0x13c: {  	s15 =	sadd.s32 $0xFFFFFF00, s1;
	s21 =	sadd.s32 $0xFFFFFF40, s1;
	s29 =	sadd.s32 $0xFFFFFF80, s1;
	v16 =	vadd.s32 s17, v0;
	v25 =	vadd.s32 s28, v0;
	v35 =	vadd.s32 s23, v0;
	v57 =	vld.idx.msk [tilespmem:v27+s16+$0x0], $0xffff  }
0x13d: {  	v59 =	vld.idx.msk [tilespmem:v26+s16+$0x0], $0xffff;
	v27 =	vadd.s32 s15, v0;
	v26 =	vadd.s32 s21, v0;
	v0 =	vadd.s32 s29, v0  }
0x13e: {  	v56 =	vld.idx.msk [tilespmem:v28+s16+$0x0], $0xffff;
	[tilespmem:$0x1FCA0] =	vst v0;
	v0 =	vadd.s32 s14, v4  }
0x13f: {  	v24 =	vadd.s32 s1, v4;
	[tilespmem:$0x1FCB0] =	vst v0;
	v0 =	vld [tilespmem:$0x1FF30]  }
0x140: {  	v6 =	vld [tilespmem:$0x1FFC0];
	v36 =	vadd.s32 s24, v1;
	v37 =	vadd.s32 s30, v1;
	v38 =	vadd.s32 s23, v1  }
0x141: {  	v5 =	vld [tilespmem:$0x1FF90];
	v39 =	vadd.s32 s31, v1;
	v40 =	vadd.s32 s22, v1;
	v41 =	vadd.s32 s18, v1  }
0x142: {  	v11 =	vld [tilespmem:$0x1FFD0];
	v42 =	vadd.s32 s19, v1;
	v43 =	vadd.s32 s26, v1;
	v44 =	vadd.s32 s17, v1  }
0x143: {  	[tilespmem:$0x1FCD0] =	vst v3;
	v3 =	vld [tilespmem:$0x1FF80];
	v7 =	vadd.s32 s28, v1;
	v29 =	vadd.s32 s14, v1;
	v53 =	vadd.s32 s2, v4  }
0x144: {  	[tilespmem:$0x1FD80] =	vst v2;
	v47 =	vadd.s32 s15, v1;
	v49 =	vld.idx.msk [tilespmem:v24+s16+$0x0], $0xffff;
	v63 =	vmul.f32 v56, v14;
	v2 =	vmul.f32 v52, v0  }
0x145: {  	v17 =	vadd.s32 s21, v1;
	v51 =	vadd.s32 s29, v1;
	v1 =	vld [tilespmem:$0x1FF50];
	v58 =	vadd.s32 s2, v45  }
0x146: {  	v8 =	vsub.f32 v63, v2;
	v2 =	vld [tilespmem:$0x1FF60]  }
0x147: {  	s0 =	sadd.s32 $0x10, s0  }
0x148: {  	s7 =	sshll.u32 s0, $0x7;
	v53 =	vld.idx.msk [tilespmem:v53+s16+$0x0], $0xffff;
	v61 =	vmul.f32 v46, v9;
	v46 =	vmul.f32 v46, v6  }
0x149: {  	s25 =	sadd.s32 $0xFFFFFF80, s7;
	v62 =	vmul.f32 v49, v3;
	v49 =	vmul.f32 v49, v5  }
0x14a: {  	v15 =	vor.u32 s25, v11;
	v58 =	vld.idx.msk [tilespmem:v58+s16+$0x0], $0xffff;
	v56 =	vmul.f32 v56, v0;
	v52 =	vmul.f32 v52, v14  }
0x14b: {  	v30 =	vadd.s32 s23, v4;
	v10 =	vmul.f32 v57, v1;
	v48 =	vmul.f32 v59, v2  }
0x14c: {  	v60 =	vld.idx.msk [tilespmem:v29+s16+$0x0], $0xffff;
	v13 =	vmul.f32 v59, v1;
	v52 =	vadd.f32 v52, v56;
	v57 =	vmul.f32 v57, v2  }
0x14d: {  	v37 =	vld.idx.msk [tilespmem:v37+s16+$0x0], $0xffff;
	v8 =	vadd.f32 $0.0e+00, v8;
	v10 =	vsub.f32 v48, v10;
	v48 =	vmul.f32 v53, v5  }
0x14e: {  	v39 =	vld.idx.msk [tilespmem:v39+s16+$0x0], $0xffff;
	v52 =	vadd.f32 $0.0e+00, v52;
	v56 =	vadd.f32 v57, v13;
	v53 =	vmul.f32 v53, v3  }
0x14f: {  	v41 =	vld.idx.msk [tilespmem:v41+s16+$0x0], $0xffff;
	v13 =	vmul.f32 v58, v6;
	v8 =	vadd.f32 v10, v8;
	v63 =	vsub.f32 v48, v62  }
0x150: {  	v36 =	vld.idx.msk [tilespmem:v36+s16+$0x0], $0xffff;
	v52 =	vadd.f32 v56, v52;
	v49 =	vadd.f32 v49, v53;
	v62 =	vmul.f32 v58, v9  }
0x151: {  	v38 =	vld.idx.msk [tilespmem:v38+s16+$0x0], $0xffff;
	v56 =	vor.u32 s7, v11;
	v8 =	vadd.f32 v63, v8;
	v63 =	vsub.f32 v13, v61  }
0x152: {  	v47 =	vld.idx.msk [tilespmem:v47+s16+$0x0], $0xffff;
	v28 =	vmul.f32 v37, v14;
	v49 =	vadd.f32 v49, v52;
	v46 =	vadd.f32 v46, v62  }
0x153: {  	v18 =	vmul.f32 v39, v14;
	v13 =	vld.idx.msk [tilespmem:v7+s16+$0x0], $0xffff;
	[tilespmem:v20+s8+$0x0] =	vst.idx.msk $0xffff, v22;
	v7 =	vadd.f32 v63, v8  }
0x154: {  	v40 =	vld.idx.msk [tilespmem:v40+s16+$0x0], $0xffff;
	v24 =	vmul.f32 v41, v14;
	[tilespmem:v21+s8+$0x0] =	vst.idx.msk $0xffff, v23;
	v22 =	vadd.f32 v46, v49  }
0x155: {  	v59 =	vadd.s32 s19, v4;
	v57 =	vadd.s32 s24, v4;
	v48 =	vadd.s32 s31, v4;
	[tilespmem:v15+s8+$0x0] =	vst.idx.msk $0xffff, v7  }
0x156: {  	v58 =	vadd.s32 s22, v4;
	v52 =	vadd.s32 s30, v4;
	v7 =	vadd.s32 s15, v4;
	[tilespmem:v56+s8+$0x0] =	vst.idx.msk $0xffff, v22  }
0x157: {  	v51 =	vld.idx.msk [tilespmem:v51+s16+$0x0], $0xffff;
	v61 =	vadd.s32 s17, v4;
	v49 =	vadd.s32 s18, v4;
	[tilespmem:$0x1FCE0] =	vst v7;
	v7 =	vadd.s32 s21, v4  }
0x158: {  	v15 =	vld.idx.msk [tilespmem:v50+s16+$0x0], $0xffff;
	v50 =	vadd.s32 s26, v4;
	v56 =	vadd.s32 s28, v4;
	v4 =	vadd.s32 s29, v4;
	[tilespmem:$0x1FCF0] =	vst v7  }
0x159: {  	v43 =	vld.idx.msk [tilespmem:v43+s16+$0x0], $0xffff;
	v29 =	vmul.f32 v36, v0;
	v36 =	vmul.f32 v36, v14;
	[tilespmem:$0x1FD00] =	vst v4;
	v4 =	vadd.s32 s14, v45  }
0x15a: {  	v42 =	vld.idx.msk [tilespmem:v42+s16+$0x0], $0xffff;
	v37 =	vmul.f32 v37, v0;
	v19 =	vmul.f32 v40, v0;
	[tilespmem:$0x1FD10] =	vst v4;
	v4 =	vadd.s32 s24, v45  }
0x15b: {  	v39 =	vmul.f32 v39, v0;
	v40 =	vmul.f32 v40, v14;
	[tilespmem:$0x1FD20] =	vst v4;
	v4 =	vadd.s32 s30, v45  }
0x15c: {  	v44 =	vld.idx.msk [tilespmem:v44+s16+$0x0], $0xffff;
	v41 =	vmul.f32 v41, v0;
	v18 =	vsub.f32 v18, v19;
	[tilespmem:$0x1FD30] =	vst v4;
	v4 =	vadd.s32 s23, v45  }
0x15d: {  	v19 =	vadd.f32 v40, v39;
	v53 =	vmul.f32 v51, v0;
	[tilespmem:$0x1FD40] =	vst v4;
	v4 =	vadd.s32 s31, v45  }
0x15e: {  	v62 =	vld.idx.msk [tilespmem:v12+s16+$0x0], $0xffff;
	v12 =	vmul.f32 v43, v14;
	v43 =	vmul.f32 v43, v0;
	[tilespmem:$0x1FD50] =	vst v4;
	v4 =	vadd.s32 s22, v45  }
0x15f: {  	v20 =	vld.idx.msk [tilespmem:v17+s16+$0x0], $0xffff;
	v21 =	vmul.f32 v38, v0;
	v23 =	vmul.f32 v42, v0;
	[tilespmem:$0x1FD60] =	vst v4;
	v4 =	vadd.s32 s18, v45  }
0x160: {  	v42 =	vmul.f32 v42, v14;
	v46 =	vmul.f32 v60, v14;
	[tilespmem:$0x1FD90] =	vst v4;
	v4 =	vadd.s32 s19, v45  }
0x161: {  	v54 =	vld.idx.msk [tilespmem:v54+s16+$0x0], $0xffff;
	v60 =	vmul.f32 v60, v0;
	v8 =	vmul.f32 v44, v0;
	[tilespmem:$0x1FDB0] =	vst v4;
	v4 =	vadd.s32 s26, v45  }
0x162: {  	v55 =	vld.idx.msk [tilespmem:v55+s16+$0x0], $0xffff;
	v44 =	vmul.f32 v44, v14;
	v10 =	vmul.f32 v13, v14;
	[tilespmem:$0x1FDC0] =	vst v4;
	v4 =	vadd.s32 s17, v45  }
0x163: {  	v17 =	vld.idx.msk [tilespmem:v16+s16+$0x0], $0xffff;
	v13 =	vmul.f32 v13, v0;
	v7 =	vmul.f32 v47, v0;
	[tilespmem:$0x1FDD0] =	vst v4;
	v4 =	vadd.s32 s28, v45  }
0x164: {  	v16 =	vld [tilespmem:$0x1FCA0];
	[tilespmem:$0x1FDE0] =	vst v4;
	v4 =	vmul.f32 v20, v14;
	v20 =	vmul.f32 v20, v0;
	v0 =	vadd.s32 s21, v45  }
0x165: {  	v40 =	vadd.f32 v42, v41;
	v42 =	vadd.f32 v44, v43;
	v43 =	vld.idx.msk [tilespmem:v59+s16+$0x0], $0xffff;
	[tilespmem:$0x1FE00] =	vst v0;
	v0 =	vadd.s32 s29, v45  }
0x166: {  	v36 =	vadd.f32 v36, v60;
	v47 =	vmul.f32 v47, v14;
	[tilespmem:$0x1FE10] =	vst v0;
	v0 =	vld [tilespmem:$0x1FCC0]  }
0x167: {  	v59 =	vld [tilespmem:$0x1FCE0]  }
0x168: {  	v13 =	vadd.f32 v47, v13;
	v47 =	vadd.f32 $0.0e+00, v36;
	v36 =	vld [tilespmem:$0x1FD00]  }
0x169: {  	v63 =	vadd.s32 s15, v45;
	v45 =	vld [tilespmem:$0x1FCD0]  }
0x16a: {  	v33 =	vld.idx.msk [tilespmem:v33+s16+$0x0], $0xffff  }
0x16b: {  	v32 =	vld.idx.msk [tilespmem:v32+s16+$0x0], $0xffff  }
0x16c: {  	v26 =	vld.idx.msk [tilespmem:v26+s16+$0x0], $0xffff  }
0x16d: {  	v51 =	vmul.f32 v51, v14;
	v38 =	vmul.f32 v38, v14;
	v16 =	vld.idx.msk [tilespmem:v16+s16+$0x0], $0xffff  }
0x16e: {  	v60 =	vmul.f32 v15, v1;
	v14 =	vld.idx.msk [tilespmem:v52+s16+$0x0], $0xffff;
	v52 =	vmul.f32 v54, v1;
	[tilespmem:v0+s8+$0x0] =	vst.idx.msk $0xffff, v45  }
0x16f: {  	v0 =	vmul.f32 v15, v2;
	v15 =	vsub.f32 v24, v23;
	v23 =	vmul.f32 v54, v2;
	v54 =	vld.idx.msk [tilespmem:v59+s16+$0x0], $0xffff  }
0x170: {  	v59 =	vld.idx.msk [tilespmem:v36+s16+$0x0], $0xffff  }
0x171: {  	v36 =	vadd.f32 $0.0e+00, v15;
	v15 =	vld [tilespmem:$0x1FD40]  }
0x172: {  	v31 =	vld.idx.msk [tilespmem:v31+s16+$0x0], $0xffff  }
0x173: {  	v35 =	vld.idx.msk [tilespmem:v35+s16+$0x0], $0xffff  }
0x174: {  	v25 =	vld.idx.msk [tilespmem:v25+s16+$0x0], $0xffff  }
0x175: {  	v37 =	vadd.f32 v38, v37;
	v38 =	vld.idx.msk [tilespmem:v30+s16+$0x0], $0xffff  }
0x176: {  	v39 =	vld.idx.msk [tilespmem:v58+s16+$0x0], $0xffff  }
0x177: {  	v21 =	vsub.f32 v28, v21;
	v22 =	vld.idx.msk [tilespmem:v27+s16+$0x0], $0xffff  }
0x178: {  	v27 =	vld [tilespmem:$0x1FCB0]  }
0x179: {  	v58 =	vadd.f32 $0.0e+00, v21;
	v21 =	vld.idx.msk [tilespmem:v15+s16+$0x0], $0xffff  }
0x17a: {  	v15 =	vld [tilespmem:$0x1FD50]  }
0x17b: {  	v41 =	vld.idx.msk [tilespmem:v49+s16+$0x0], $0xffff  }
0x17c: {  	v49 =	vld.idx.msk [tilespmem:v61+s16+$0x0], $0xffff;
	v61 =	vadd.f32 $0.0e+00, v37  }
0x17d: {  	v30 =	vld.idx.msk [tilespmem:v48+s16+$0x0], $0xffff;
	v48 =	vmul.f32 v33, v1;
	v46 =	vsub.f32 v46, v29  }
0x17e: {  	v34 =	vld.idx.msk [tilespmem:v34+s16+$0x0], $0xffff;
	v44 =	vmul.f32 v35, v1;
	v29 =	vmul.f32 v55, v1;
	[tilespmem:$0x1FE40] =	vst v61;
	v61 =	vadd.f32 $0.0e+00, v19  }
0x17f: {  	[tilespmem:$0x1FE30] =	vst v58;
	v58 =	vmul.f32 v17, v1;
	v7 =	vsub.f32 v10, v7;
	v10 =	vmul.f32 v62, v1  }
0x180: {  	[tilespmem:$0x1FE60] =	vst v61;
	v61 =	vmul.f32 v25, v2;
	v25 =	vmul.f32 v25, v1;
	v4 =	vsub.f32 v4, v53  }
0x181: {  	v27 =	vld.idx.msk [tilespmem:v27+s16+$0x0], $0xffff;
	v20 =	vadd.f32 v51, v20;
	v51 =	vmul.f32 v32, v2;
	v53 =	vmul.f32 v31, v1  }
0x182: {  	v32 =	vmul.f32 v32, v1;
	[tilespmem:$0x1FDA0] =	vst v0;
	v0 =	vsub.f32 v12, v8;
	v15 =	vld.idx.msk [tilespmem:v15+s16+$0x0], $0xffff  }
0x183: {  	v45 =	vmul.f32 v55, v2;
	v24 =	vmul.f32 v35, v2  }
0x184: {  	v35 =	vld.idx.msk [tilespmem:v50+s16+$0x0], $0xffff;
	v55 =	vadd.f32 $0.0e+00, v46;
	v46 =	vmul.f32 v34, v2;
	v0 =	vadd.f32 $0.0e+00, v0  }
0x185: {  	v34 =	vmul.f32 v34, v1;
	v50 =	vld.idx.msk [tilespmem:v56+s16+$0x0], $0xffff;
	v56 =	vmul.f32 v62, v2  }
0x186: {  	v62 =	vmul.f32 v22, v1;
	[tilespmem:$0x1FE80] =	vst v0;
	v0 =	vmul.f32 v16, v1  }
0x187: {  	[tilespmem:$0x1FED0] =	vst v15;
	v15 =	vmul.f32 v26, v1;
	v1 =	vmul.f32 v27, v5;
	_ =	sdelay $0x1  }
0x188: {  	[tilespmem:$0x1FEA0] =	vst v1;
	v1 =	vld [tilespmem:$0x1FD60];
	_ =	sdelay $0x5  }
0x189: {  	[tilespmem:$0x1FDF0] =	vst v63;
	v63 =	vld [tilespmem:$0x1FCF0]  }
0x18a: {  	[tilespmem:$0x1FE70] =	vst v36;
	v36 =	vadd.f32 $0.0e+00, v7;
	v7 =	vld [tilespmem:$0x1FD80]  }
0x18b: {  	v19 =	vld.idx.msk [tilespmem:v1+s16+$0x0], $0xffff;
	v1 =	vadd.f32 $0.0e+00, v13  }
0x18c: {  	v57 =	vld.idx.msk [tilespmem:v57+s16+$0x0], $0xffff  }
0x18d: {  	[tilespmem:$0x1FE90] =	vst v1;
	v1 =	vld [tilespmem:$0x1FD70];
	_ =	sdelay $0x3  }
0x18e: {  	[tilespmem:$0x1FE20] =	vst v55  }
0x18f: {  	v55 =	vld.idx.msk [tilespmem:v63+s16+$0x0], $0xffff;
	[tilespmem:v7+s8+$0x0] =	vst.idx.msk $0xffff, v1;
	v1 =	vmul.f32 v57, v3;
	_ =	sdelay $0x1  }
0x190: {  	[tilespmem:$0x1FEB0] =	vst v1;
	v1 =	vld [tilespmem:$0x1FD90];
	_ =	sdelay $0x7  }
0x191: {  	v1 =	vld.idx.msk [tilespmem:v1+s16+$0x0], $0xffff;
	_ =	sdelay $0x4  }
0x192: {  	[tilespmem:$0x1FEE0] =	vst v1;
	v1 =	vadd.f32 $0.0e+00, v20;
	_ =	sdelay $0x1  }
0x193: {  	[tilespmem:$0x1FEC0] =	vst v1;
	v1 =	vld [tilespmem:$0x1FDA0];
	_ =	sdelay $0x3  }
0x194: {  	v63 =	vld [tilespmem:$0x1FD20]  }
0x195: {  	v52 =	vsub.f32 v1, v52;
	v1 =	vld [tilespmem:$0x1FDB0];
	_ =	sdelay $0x4  }
0x196: {  	v12 =	vadd.f32 $0.0e+00, v18  }
0x197: {  	v33 =	vmul.f32 v33, v2;
	v31 =	vmul.f32 v31, v2  }
0x198: {  	v8 =	vmul.f32 v17, v2;
	[tilespmem:$0x1FE50] =	vst v12;
	v12 =	vmul.f32 v22, v2;
	v18 =	vld.idx.msk [tilespmem:v63+s16+$0x0], $0xffff  }
0x199: {  	v63 =	vmul.f32 v26, v2;
	v2 =	vmul.f32 v16, v2;
	v16 =	vadd.f32 v23, v60;
	v23 =	vld.idx.msk [tilespmem:v1+s16+$0x0], $0xffff  }
0x19a: {  	v1 =	vld [tilespmem:$0x1FDC0];
	_ =	sdelay $0x4  }
0x19b: {  	v37 =	vld [tilespmem:$0x1FD10];
	_ =	sdelay $0x2  }
0x19c: {  	v13 =	vld.idx.msk [tilespmem:v1+s16+$0x0], $0xffff  }
0x19d: {  	v1 =	vld [tilespmem:$0x1FDD0]  }
0x19e: {  	v0 =	vsub.f32 v63, v0;
	v63 =	vld [tilespmem:$0x1FE30]  }
0x19f: {  	v7 =	vsub.f32 v45, v44;
	v44 =	vld [tilespmem:$0x1FE40];
	_ =	sdelay $0x1  }
0x1a0: {  	v28 =	vld.idx.msk [tilespmem:v37+s16+$0x0], $0xffff  }
0x1a1: {  	v37 =	vld [tilespmem:$0x1FD30];
	v17 =	vadd.f32 $0.0e+00, v4;
	v4 =	vadd.f32 v24, v29;
	_ =	sdelay $0x1  }
0x1a2: {  	v7 =	vadd.f32 v7, v63;
	v63 =	vadd.f32 v4, v44;
	v4 =	vld [tilespmem:$0x1FE50]  }
0x1a3: {  	v33 =	vadd.f32 v33, v34;
	v34 =	vld.idx.msk [tilespmem:v1+s16+$0x0], $0xffff  }
0x1a4: {  	v51 =	vsub.f32 v51, v53;
	v1 =	vld [tilespmem:$0x1FDE0]  }
0x1a5: {  	v46 =	vsub.f32 v46, v48;
	v53 =	vsub.f32 v56, v58;
	v58 =	vld [tilespmem:$0x1FDF0];
	_ =	sdelay $0x1  }
0x1a6: {  	v4 =	vadd.f32 v46, v4  }
0x1a7: {  	v37 =	vld.idx.msk [tilespmem:v37+s16+$0x0], $0xffff  }
0x1a8: {  	[tilespmem:$0x1FEF0] =	vst v4;
	v4 =	vld [tilespmem:$0x1FE60]  }
0x1a9: {  	v56 =	vsub.f32 v61, v62;
	v62 =	vld [tilespmem:$0x1FE20]  }
0x1aa: {  	v40 =	vadd.f32 $0.0e+00, v40;
	v60 =	vld [tilespmem:$0x1FE00]  }
0x1ab: {  	v42 =	vadd.f32 $0.0e+00, v42;
	v31 =	vadd.f32 v31, v32;
	v48 =	vmul.f32 v38, v3;
	v32 =	vld.idx.msk [tilespmem:v1+s16+$0x0], $0xffff  }
0x1ac: {  	v38 =	vmul.f32 v38, v5;
	v24 =	vmul.f32 v30, v3;
	v1 =	vadd.f32 v8, v10;
	v8 =	vld.idx.msk [tilespmem:v58+s16+$0x0], $0xffff  }
0x1ad: {  	v29 =	vmul.f32 v37, v9;
	v58 =	vmul.f32 v30, v5;
	v30 =	vadd.f32 v33, v4;
	v4 =	vld [tilespmem:$0x1FE70]  }
0x1ae: {  	v31 =	vadd.f32 v31, v40;
	v61 =	vld [tilespmem:$0x1FE10];
	v22 =	vmul.f32 v14, v3;
	v40 =	vmul.f32 v54, v5  }
0x1af: {  	v16 =	vadd.f32 v16, v47;
	v47 =	vmul.f32 v41, v5;
	v1 =	vadd.f32 v1, v42  }
0x1b0: {  	v41 =	vmul.f32 v41, v3;
	v26 =	vmul.f32 v14, v5  }
0x1b1: {  	v45 =	vmul.f32 v43, v3;
	v44 =	vmul.f32 v35, v5;
	[tilespmem:$0x1FF00] =	vst v1;
	v1 =	vld [tilespmem:$0x1FE90]  }
0x1b2: {  	v35 =	vmul.f32 v35, v3;
	v52 =	vadd.f32 v52, v62;
	v62 =	vadd.f32 v51, v4;
	v4 =	vld [tilespmem:$0x1FE80]  }
0x1b3: {  	v56 =	vadd.f32 v56, v36;
	v46 =	vmul.f32 v49, v3;
	v20 =	vmul.f32 v27, v3  }
0x1b4: {  	v10 =	vadd.f32 v12, v25;
	v12 =	vld.idx.msk [tilespmem:v60+s16+$0x0], $0xffff;
	v60 =	vmul.f32 v39, v3;
	v33 =	vmul.f32 v49, v5  }
0x1b5: {  	v2 =	vadd.f32 v2, v15;
	v49 =	vmul.f32 v50, v5;
	v50 =	vmul.f32 v50, v3  }
0x1b6: {  	v15 =	vld.idx.msk [tilespmem:v61+s16+$0x0], $0xffff;
	v51 =	vmul.f32 v54, v3;
	v54 =	vmul.f32 v55, v5;
	v1 =	vadd.f32 v10, v1  }
0x1b7: {  	v55 =	vmul.f32 v55, v3;
	v61 =	vadd.f32 v53, v4;
	v53 =	vmul.f32 v59, v3;
	v3 =	vld [tilespmem:$0x1FEB0]  }
0x1b8: {  	v22 =	vadd.f32 v38, v22;
	v0 =	vadd.f32 v0, v17;
	v57 =	vmul.f32 v57, v5;
	[tilespmem:$0x1FF10] =	vst v1;
	v1 =	vld [tilespmem:$0x1FEA0]  }
0x1b9: {  	v38 =	vmul.f32 v21, v9;
	v48 =	vsub.f32 v26, v48;
	v43 =	vmul.f32 v43, v5  }
0x1ba: {  	v36 =	vsub.f32 v47, v45;
	v45 =	vmul.f32 v19, v9;
	v17 =	vadd.f32 v57, v20  }
0x1bb: {  	s6 =	sadd.s32 $0xFFFFFB00, s7;
	v7 =	vadd.f32 v48, v7;
	v57 =	vmul.f32 v28, v9;
	v20 =	vmul.f32 v18, v6  }
0x1bc: {  	v16 =	vadd.f32 v17, v16;
	v17 =	vor.u32 s6, v11;
	v39 =	vmul.f32 v39, v5  }
0x1bd: {  	v47 =	vmul.f32 v23, v9;
	v14 =	vmul.f32 v23, v6;
	v1 =	vsub.f32 v1, v3;
	v3 =	vld [tilespmem:$0x1FEC0]  }
0x1be: {  	v23 =	vmul.f32 v34, v9;
	v27 =	vsub.f32 v58, v60;
	v24 =	vadd.f32 v39, v24  }
0x1bf: {  	v25 =	vmul.f32 v21, v6;
	v39 =	vadd.f32 v43, v41;
	v41 =	vsub.f32 v44, v46  }
0x1c0: {  	v42 =	vmul.f32 v59, v5;
	v33 =	vadd.f32 v33, v35;
	v40 =	vadd.f32 v40, v50  }
0x1c1: {  	v60 =	vld [tilespmem:$0x1FEF0];
	v31 =	vadd.f32 v39, v31;
	v39 =	vmul.f32 v15, v9;
	v15 =	vmul.f32 v15, v6  }
0x1c2: {  	v5 =	vmul.f32 v18, v9;
	v48 =	vmul.f32 v8, v9;
	v2 =	vadd.f32 v2, v3;
	v3 =	vld [tilespmem:$0x1FED0]  }
0x1c3: {  	v30 =	vadd.f32 v24, v30;
	v21 =	vmul.f32 v32, v9;
	v8 =	vmul.f32 v8, v6  }
0x1c4: {  	v35 =	vsub.f32 v49, v51;
	v42 =	vadd.f32 v42, v55;
	v59 =	vmul.f32 v28, v6  }
0x1c5: {  	s2 =	sadd.s32 $0xFFFFFD80, s7;
	v36 =	vadd.f32 v36, v62;
	v28 =	vmul.f32 v37, v6;
	v4 =	vmul.f32 v19, v6  }
0x1c6: {  	[dreg:$0x8] =	wrdreg s2;
	s2 =	sadd.s32 $0xFFFFFE00, s7;
	v37 =	vadd.f32 v27, v60;
	v27 =	vmul.f32 v34, v6;
	v34 =	vmul.f32 v32, v6  }
0x1c7: {  	[dreg:$0x9] =	wrdreg s2;
	v8 =	vadd.f32 v8, v21;
	v44 =	vmul.f32 v3, v6;
	v26 =	vmul.f32 v3, v9;
	v3 =	vld [tilespmem:$0x1FEE0]  }
0x1c8: {  	s29 =	rddreg [dreg:$0x9];
	v32 =	vmul.f32 v12, v6;
	v58 =	vsub.f32 v54, v53;
	v19 =	vadd.f32 v41, v61  }
0x1c9: {  	v21 =	vor.u32 s29, v11;
	v53 =	vadd.f32 v35, v56;
	v55 =	vsub.f32 v59, v5  }
0x1ca: {  	s13 =	sadd.s32 $0xFFFFFA80, s7;
	v12 =	vmul.f32 v12, v9;
	v18 =	vsub.f32 v28, v38;
	v39 =	vsub.f32 v32, v39  }
0x1cb: {  	v60 =	vor.u32 s13, v11;
	v0 =	vadd.f32 v58, v0;
	v58 =	vadd.f32 v25, v29  }
0x1cc: {  	v25 =	vadd.f32 v15, v12;
	v1 =	vadd.f32 v1, v52;
	v46 =	vmul.f32 v3, v6  }
0x1cd: {  	s20 =	sadd.s32 $0xFFFFF880, s7;
	v50 =	vmul.f32 v3, v9;
	v3 =	vadd.f32 v22, v63;
	v22 =	vmul.f32 v13, v6;
	v6 =	vld [tilespmem:$0x1FF00]  }
0x1ce: {  	s9 =	sadd.s32 $0xFFFFF900, s7;
	v41 =	vor.u32 s20, v11;
	v24 =	vadd.f32 v42, v2;
	v2 =	vadd.f32 v20, v57  }
0x1cf: {  	s10 =	sadd.s32 $0xFFFFF980, s7;
	v54 =	vor.u32 s9, v11;
	v7 =	vadd.f32 v18, v7;
	v1 =	vadd.f32 v55, v1  }
0x1d0: {  	v56 =	vor.u32 s10, v11;
	v2 =	vadd.f32 v2, v16;
	v59 =	vsub.f32 v44, v45  }
0x1d1: {  	s12 =	sadd.s32 $0xFFFFFC00, s7;
	s2 =	sadd.s32 $0xFFFFFE80, s7;
	v4 =	vadd.f32 v4, v26;
	v63 =	vmul.f32 v13, v9;
	v61 =	vsub.f32 v46, v47  }
0x1d2: {  	s25 =	sadd.s32 $0xFFFFFB80, s7;
	[dreg:$0x7] =	wrdreg s2;
	s2 =	sadd.s32 $0xFFFFFF00, s7;
	v28 =	vor.u32 s12, v11;
	v5 =	vadd.f32 v14, v50;
	v52 =	vadd.f32 v33, v6;
	v6 =	vld [tilespmem:$0x1FF10]  }
0x1d3: {  	s4 =	sadd.s32 $0x8, s4;
	s5 =	sadd.s32 $0xFFFFFA00, s7;
	[dreg:$0x6] =	wrdreg s2;
	v29 =	vor.u32 s25, v11;
	v62 =	vsub.f32 v22, v23;
	v63 =	vadd.f32 v27, v63  }
0x1d4: {  	p0 =	slt.u32 s4, $0x38;
	s28 =	rddreg [dreg:$0x8];
	[tilespmem:v41+s8+$0x0] =	vst.idx.msk $0xffff, v1;
	v57 =	vor.u32 s5, v11;
	v22 =	vsub.f32 v34, v48;
	v1 =	vadd.f32 v58, v3  }
.Ltmp1:
0x1d5: {  	s31 =	rddreg [dreg:$0x6];
	v20 =	vor.u32 s28, v11;
	v3 =	vadd.f32 v59, v37;
	v34 =	vadd.f32 v4, v30;
	(pc) =	sbr.rel @p0 .LBB2_6-.Ltmp1, $4  }
0x1d6: {  	s11 =	sadd.s32 $0xFFFFFD00, s7;
	[tilespmem:v54+s8+$0x0] =	vst.idx.msk $0xffff, v2;
	v2 =	vor.u32 s31, v11;
	v32 =	vadd.f32 v5, v31;
	v30 =	vadd.f32 v62, v19  }
0x1d7: {  	s3 =	sadd.s32 $0xFFFFFC80, s7;
	[tilespmem:v56+s8+$0x0] =	vst.idx.msk $0xffff, v7;
	v26 =	vor.u32 s11, v11;
	v22 =	vadd.f32 v22, v53;
	v6 =	vadd.f32 v40, v6  }
0x1d8: {  	s30 =	rddreg [dreg:$0x7];
	v27 =	vor.u32 s3, v11;
	[tilespmem:v60+s8+$0x0] =	vst.idx.msk $0xffff, v3;
	v3 =	vadd.f32 v39, v0;
	v33 =	vadd.f32 v61, v36  }
0x1d9: {  	s1 =	sadd.s32 $0x400, s1;
	v4 =	vor.u32 s30, v11;
	[tilespmem:v57+s8+$0x0] =	vst.idx.msk $0xffff, v1;
	v1 =	vld [tilespmem:$0x1FFE0];
	v31 =	vadd.f32 v63, v52;
	v23 =	vadd.f32 v8, v6  }
0x1da: {  	_ =	sdelay $0x3  }
0x1db: {  	[tilespmem:v17+s8+$0x0] =	vst.idx.msk $0xffff, v34  }
0x1dc: {  	[tilespmem:v29+s8+$0x0] =	vst.idx.msk $0xffff, v33  }
0x1dd: {  	[tilespmem:v27+s8+$0x0] =	vst.idx.msk $0xffff, v30  }
0x1de: {  	[tilespmem:v20+s8+$0x0] =	vst.idx.msk $0xffff, v22  }
0x1df: {  	[tilespmem:v28+s8+$0x0] =	vst.idx.msk $0xffff, v32  }
0x1e0: {  	[tilespmem:v26+s8+$0x0] =	vst.idx.msk $0xffff, v31  }
0x1e1: {  	[tilespmem:v21+s8+$0x0] =	vst.idx.msk $0xffff, v23  }
0x1e2: {  	s1 =	rddreg [dreg:$0x16]  }
0x1e3: {  	s1 =	sadd.s32 $0x1, s1  }
0x1e4: {  	p0 =	sne.s32 s1, $0x8  }
.Ltmp2:
0x1e5: {  	v0 =	vadd.f32 v25, v24;
	(pc) =	sbr.rel @p0 .LBB2_3-.Ltmp2, $4  }
0x1e6: {  	[tilespmem:v4+s8+$0x0] =	vst.idx.msk $0xffff, v3  }
0x1e7: {  	[tilespmem:v2+s8+$0x0] =	vst.idx.msk $0xffff, v0  }
0x1e8: {  	s2 =	rddreg [dreg:$0x15]  }
0x1e9: {  	s2 =	sadd.s32 $0x10, s2  }
0x1ea: {  	s0 =	rddreg [dreg:$0xd]  }
0x1eb: {  	s1 =	rddreg [dreg:$0x14];
	s3 =	simm.s32 $0x400  }
0x1ec: {  	s4 =	simm.s32 $0x20000;
	s2 =	simm.s32 $0x1;
	s0 =	sadd.s32 s0, s1  }
0x1ed: {  	[hbm4b:s0+s3] =	stream.strided.scatter [tilespmem:s8], [sflag:$0x1], $0x4000, s4, s3, $0x38;
	[tilespmem:$0x8D00] =	vst v63  }
0x1ee: {  	_ =	swait.ge [sflag:s2], $0x4000  }
0x1ef: {  	[sflag:s2] =	ssyncset.done $0x0  }
0x1f0: {  	[sflag:s2] =	ssyncadd.s32 $0xFFFFC000  }
0x1f1: {  	s28 =	sshrl.u32 s1, $0x1;
	s29 =	rddreg [dreg:$0x4]  }
0x1f2: {  	s5 =	simm.s32 $0x0;
	s30 =	simm.s32 $0x8A80;
	s0 =	sadd.s32 s29, s28  }
0x1f3: {  	[hbm4b:s0+s5] =	stream.linear.scatter [tilespmem:s30], [sflag:$0x1], $0x200, $0x38;
	[tilespmem:$0x8D00] =	vst v63  }
0x1f4: {  	_ =	swait.ge [sflag:s2], $0x200  }
0x1f5: {  	s31 =	rddreg [dreg:$0x13]  }
0x1f6: {  	s0 =	sadd.s32 $0x1, s31  }
0x1f7: {  	p0 =	sne.s32 s0, $0x4  }
.Ltmp3:
0x1f8: {  	_ = 	snop;
	(pc) =	sbr.rel @p0 .LBB2_2-.Ltmp3, $3  }
0x1f9: {  	_ =	sdelay $0x1  }
0x1fa: {  	[sflag:s2] =	ssyncset.done $0x0  }
0x1fb: {  	[sflag:s2] =	ssyncadd.s32 $0xFFFFFE00  }
0x1fc: {  	s0 =	rddreg [dreg:$0x10];
	s1 =	simm.s32 $0x8C80  }
0x1fd: {  	[hbm4b:s0+s5] =	stream.linear.scatter [tilespmem:s1], [sflag:$0x1], $0x80, $0x38;
	[tilespmem:$0x8D00] =	vst v63  }
0x1fe: {  	_ =	swait.ge [sflag:s2], $0x80  }
0x1ff: {  	s30 =	rddreg [dreg:$0x12]  }
0x200: {  	s31 =	rddreg [dreg:$0x11];
	s1 =	sadd.s32 $0x1, s30  }
0x201: {  	p0 =	sne.s32 s1, s31  }
.Ltmp4:
0x202: {  	_ = 	snop;
	(pc) =	sbr.rel @p0 .LBB2_1-.Ltmp4, $3  }
0x203: {  	_ =	sdelay $0x1  }
0x204: {  	[sflag:s2] =	ssyncset.done $0x0  }
0x205: {  	[sflag:s2] =	ssyncadd.s32 $0xFFFFFF80  }
0x206: {  	_ =	sfence.sel $0x180000  }
0x207: {  	[bflag:$0x0] =	sbarrier.arrive $0xFFFF  }
0x208: {  	_ =	strace $0x90000047  }
0x209: {  	s0 =	stileid.u32;
	[bflag:$0x2] =	sbarrier.arrive $0xFFFF  }
0x20a: {  	p0 =	sne.s32 s0, $0x0;
	s0 =	rddreg [dreg:$0x5]  }
0x20b: {  	s0 =	sadd.s32 @!p0 $0x100000, s0  }
0x20c: {  	[sflag:s0] =	ssyncadd.tile.s32 @!p0 $0x1;
	_ =	shalt  }
.Lfunc_end2:
_tile_overlayer_lowered:
.L_overlay_start_2:
0x20d: {  	(tag) =	ssettag $0x2  }
0x20e: {  	s0 =	rddreg [dreg:$0x0];
	s2 =	stileid.u32  }
0x20f: {  	s1 =	rddreg [dreg:$0x1];
	p0 =	sne.s32 s2, $0x0  }
0x210: {  	s3 =	rddreg [dreg:$0x2];
	[bflag:$0x3] =	sbarrier.arrive $0xFFFF;
	s2 =	simm.s32 @!p0 $0x1C01  }
0x211: {  	[timem:s3], [sflag:s2] =	dma.local @!p0 [hbm:s0], s1  }
0x212: {  	s0 =	simm.s32 @!p0 $0x1  }
0x213: {  	_ =	swait.ge @!p0 [sflag:s0], s1  }
0x214: {  	s1 =	ssub.s32 @!p0 $0x0, s1;
	[sflag:s0] =	ssyncset.done @!p0 $0x0  }
0x215: {  	[sflag:s0] =	ssyncadd.s32 @!p0 s1  }
0x216: {  	[bflag:$0x3] =	sbarrier.arrive $0xFFFF  }
0x217: {  	_ =	shalt  }

</sc_bundles>
